<compile_context>
chip_gen: v7x
topology: tpu7x:2x2x1
jax: 0.10.2.dev20260603
libtpu: 0.0.44.dev20260713+nightly
codegen_flags: <defaults>
</compile_context>

<pallas_src>
import functools

import jax
import jax.numpy as jnp
from jax import lax
from jax.experimental import pallas as pl
from jax.experimental.pallas import tpu as pltpu
from jax.experimental.pallas import tpu_sc as plsc

VOCAB = 100000
HIDDEN = 128
SEQS = 4096
SLEN = 50
NUM_CORES = 2
NUM_SUBCORES = 16
NW = NUM_CORES * NUM_SUBCORES
APW = SEQS // NW
NCHUNK = SLEN
NBUF = 5
PREF = 2
NGROUPS = NCHUNK // NBUF

_mesh = plsc.VectorSubcoreMesh(core_axis_name="c", subcore_axis_name="s")


@functools.partial(
    pl.kernel,
    mesh=_mesh,
    out_type=(
        jax.ShapeDtypeStruct((SLEN, SEQS, HIDDEN), jnp.float32),
        jax.ShapeDtypeStruct((SLEN, SEQS, HIDDEN), jnp.float32),
    ),
    scratch_types=[pltpu.VMEM((NCHUNK, APW), jnp.int32)]
    + [pltpu.VMEM((APW, HIDDEN), jnp.float32) for _ in range(NBUF)]
    + [pltpu.SemaphoreType.DMA for _ in range(2 * NBUF)],
)
def _emb_gather(ids_hbm, table_hbm, out0_hbm, out1_hbm, idx_v, *bufs):
    rows = bufs[:NBUF]
    gsem = bufs[NBUF:2 * NBUF]
    ssem = bufs[2 * NBUF:]
    outs = (out0_hbm, out1_hbm)
    wid = lax.axis_index("s") * NUM_CORES + lax.axis_index("c")
    base = wid * APW
    pltpu.sync_copy(ids_hbm.at[:, pl.ds(base, APW)], idx_v)

    def gather(c, b):
        return pltpu.make_async_copy(
            table_hbm.at[idx_v.at[c]], rows[b], gsem[b])

    def store(c, b, o):
        return pltpu.make_async_copy(
            rows[b], outs[o].at[c, pl.ds(base, APW)], ssem[b])

    def store_both(c, b):
        store(c, b, 0).start()
        store(c, b, 1).start()

    def wait_stores(b):
        store(0, b, 0).wait()
        store(0, b, 1).wait()

    for c in range(PREF):
        gather(c, c).start()

    def step(c, b, first_round):
        bb = (b + PREF) % NBUF
        if not first_round:
            wait_stores(bb)
        gather(c + PREF, bb).start()
        gather(c, b).wait()
        store_both(c, b)

    for b in range(NBUF):
        step(b, b, first_round=(b + PREF < NBUF))

    def group(g, carry):
        for b in range(NBUF):
            step(g * NBUF + b, b, first_round=False)
        return carry

    lax.fori_loop(1, NGROUPS - 1, group, 0)

    for b in range(NBUF):
        c = (NGROUPS - 1) * NBUF + b
        if c + PREF < NCHUNK:
            bb = (b + PREF) % NBUF
            wait_stores(bb)
            gather(c + PREF, bb).start()
        gather(c, b).wait()
        store_both(c, b)
    for b in range(NBUF):
        wait_stores(b)


def kernel(input_ids, emb_weight):
    ids_t = jnp.transpose(input_ids).astype(jnp.int32)
    o0, o1 = _emb_gather(ids_t, emb_weight)
    h0 = jnp.transpose(o0, (1, 0, 2))
    h1 = jnp.transpose(o1, (1, 0, 2))
    return (h0, h1)

# --- scband reference (transcript-rebuilt; emitter-appended) ---
"""Pipeline reference for scband-fake-hf-88725434401256 (READ-ONLY COPY).

The authoritative reference and input builder live on the scoring server;
editing this copy changes nothing except your own understanding.
"""

import jax, jax.numpy as jnp
import numpy as np

VOCAB = 100000
HIDDEN = 128

def setup_inputs(seed: int = 0) -> dict:
    key = jax.random.key(seed)
    k_ids, k_emb = jax.random.split(key)
    input_ids = jax.random.randint(k_ids, (4096, 50), 0, VOCAB, dtype=jnp.int64 if jax.config.jax_enable_x64 else jnp.int32)
    emb_weight = jax.random.normal(k_emb, (VOCAB, HIDDEN), dtype=jnp.float32) * 0.02
    return {"input_ids": input_ids, "emb_weight": emb_weight}

def reference(input_ids, emb_weight):
    # _FakeHF.forward: h = self.emb(input_ids); out.hidden_states = [h, h]
    h = jnp.take(emb_weight, input_ids, axis=0)
    return (h, h)

if __name__ == "__main__":
    import jax
    _d = setup_inputs()
    print(jax.jit(kernel)(*tuple(_d.values())))

</pallas_src>

<mosaic_0001>
#map = affine_map<(d0, d1) -> (0, 0)>
#map1 = affine_map<(d0, d1) -> (0, 0, 0)>
module attributes {stable_mosaic.version = 14 : i64} {
  func.func @_emb_gather(%arg0: i32, %arg1: i32, %arg2: memref<50x4096xi32, #tpu.memory_space<hbm>>, %arg3: memref<100000x128xf32, #tpu.memory_space<hbm>>, %arg4: memref<50x4096x128xf32, #tpu.memory_space<hbm>>, %arg5: memref<50x4096x128xf32, #tpu.memory_space<hbm>>, %arg6: memref<50x128xi32, #tpu.memory_space<vmem>>, %arg7: memref<128x128xf32, #tpu.memory_space<vmem>>, %arg8: memref<128x128xf32, #tpu.memory_space<vmem>>, %arg9: memref<128x128xf32, #tpu.memory_space<vmem>>, %arg10: memref<128x128xf32, #tpu.memory_space<vmem>>, %arg11: memref<128x128xf32, #tpu.memory_space<vmem>>, %arg12: memref<!tpu.dma_semaphore, #tpu.memory_space<semaphore_mem>>, %arg13: memref<!tpu.dma_semaphore, #tpu.memory_space<semaphore_mem>>, %arg14: memref<!tpu.dma_semaphore, #tpu.memory_space<semaphore_mem>>, %arg15: memref<!tpu.dma_semaphore, #tpu.memory_space<semaphore_mem>>, %arg16: memref<!tpu.dma_semaphore, #tpu.memory_space<semaphore_mem>>, %arg17: memref<!tpu.dma_semaphore, #tpu.memory_space<semaphore_mem>>, %arg18: memref<!tpu.dma_semaphore, #tpu.memory_space<semaphore_mem>>, %arg19: memref<!tpu.dma_semaphore, #tpu.memory_space<semaphore_mem>>, %arg20: memref<!tpu.dma_semaphore, #tpu.memory_space<semaphore_mem>>, %arg21: memref<!tpu.dma_semaphore, #tpu.memory_space<semaphore_mem>>) attributes {dimension_semantics = [#tpu.dimension_semantics<core_parallel>, #tpu.dimension_semantics<subcore_parallel>], iteration_bounds = array<i64: 2, 16>, scalar_prefetch = 0 : i64, scratch_operands = 16 : i64, tpu.core_type = #tpu.core_type<sc_vector_subcore>, window_params = [{transform_indices = #map}, {transform_indices = #map}, {transform_indices = #map1}, {transform_indices = #map1}]} {
    %mul3A = arith.constant 2 : i32
    %mul3A_0 = arith.muli %arg1, %mul3A : i32
    %add3A = arith.addi %mul3A_0, %arg0 : i32
    %mul3A_1 = arith.constant 128 : i32
    %mul3A_2 = arith.muli %add3A, %mul3A_1 : i32
    "tpu.region"() ({
      %run_scoped3A = tpu.sem_alloc : memref<!tpu.dma_semaphore, #tpu.memory_space<semaphore_mem>>
      %dma_start3A_426 = arith.constant 0 : i32
      %dma_start3A_427 = tpu.memref_slice %arg2[%dma_start3A_426, %mul3A_2] : memref<50x4096xi32, #tpu.memory_space<hbm>> -> memref<50x128xi32, #tpu.memory_space<hbm>>
      %dma_start3A_428 = arith.constant 0 : i32
      %dma_start3A_429 = tpu.memref_slice %arg2[%dma_start3A_428, %mul3A_2] : memref<50x4096xi32, #tpu.memory_space<hbm>> -> memref<50x128xi32, #tpu.memory_space<hbm>>
      tpu.enqueue_dma source(%dma_start3A_429 : memref<50x128xi32, #tpu.memory_space<hbm>>) target(%arg6 : memref<50x128xi32, #tpu.memory_space<vmem>>) target_semaphore(%run_scoped3A : memref<!tpu.dma_semaphore, #tpu.memory_space<semaphore_mem>>)
      %dma_wait3A_430 = arith.constant 0 : i32
      %dma_wait3A_431 = tpu.memref_slice %arg2[%dma_wait3A_430, %mul3A_2] : memref<50x4096xi32, #tpu.memory_space<hbm>> -> memref<50x128xi32, #tpu.memory_space<hbm>>
      %dma_wait3A_432 = arith.constant 0 : i32
      %dma_wait3A_433 = tpu.memref_slice %arg2[%dma_wait3A_432, %mul3A_2] : memref<50x4096xi32, #tpu.memory_space<hbm>> -> memref<50x128xi32, #tpu.memory_space<hbm>>
      tpu.wait_dma2 semaphore(%run_scoped3A : memref<!tpu.dma_semaphore, #tpu.memory_space<semaphore_mem>>) src(%dma_wait3A_433 : memref<50x128xi32, #tpu.memory_space<hbm>>) dst(%arg6 : memref<50x128xi32, #tpu.memory_space<vmem>>)
      tpu.yield
    }) : () -> ()
    %dma_start3A = arith.constant 0 : i32
    %dma_start3A_3 = arith.constant 0 : i32
    %dma_start3A_4 = tpu.memref_slice %arg6[%dma_start3A, %dma_start3A_3] : memref<50x128xi32, #tpu.memory_space<vmem>> -> memref<1x128xi32, #tpu.memory_space<vmem>>
    %dma_start3A_5 = tpu.memref_squeeze %dma_start3A_4 : memref<1x128xi32, #tpu.memory_space<vmem>> -> memref<128xi32, #tpu.memory_space<vmem>>
    %dma_start3A_6 = arith.constant 0 : i32
    %dma_start3A_7 = arith.constant 0 : i32
    %dma_start3A_8 = tpu.memref_slice %arg3[%dma_start3A_6, %dma_start3A_7] : memref<100000x128xf32, #tpu.memory_space<hbm>> -> memref<100000x128xf32, #tpu.memory_space<hbm>>
    tpu.enqueue_indirect_dma source(%dma_start3A_8 : memref<100000x128xf32, #tpu.memory_space<hbm>>) target(%arg7 : memref<128x128xf32, #tpu.memory_space<vmem>>) offsets(%dma_start3A_5 : memref<128xi32, #tpu.memory_space<vmem>>) semaphore(%arg12 : memref<!tpu.dma_semaphore, #tpu.memory_space<semaphore_mem>>)
    %dma_start3A_9 = arith.constant 1 : i32
    %dma_start3A_10 = arith.constant 0 : i32
    %dma_start3A_11 = tpu.memref_slice %arg6[%dma_start3A_9, %dma_start3A_10] : memref<50x128xi32, #tpu.memory_space<vmem>> -> memref<1x128xi32, #tpu.memory_space<vmem>>
    %dma_start3A_12 = tpu.memref_squeeze %dma_start3A_11 : memref<1x128xi32, #tpu.memory_space<vmem>> -> memref<128xi32, #tpu.memory_space<vmem>>
    %dma_start3A_13 = arith.constant 0 : i32
    %dma_start3A_14 = arith.constant 0 : i32
    %dma_start3A_15 = tpu.memref_slice %arg3[%dma_start3A_13, %dma_start3A_14] : memref<100000x128xf32, #tpu.memory_space<hbm>> -> memref<100000x128xf32, #tpu.memory_space<hbm>>
    tpu.enqueue_indirect_dma source(%dma_start3A_15 : memref<100000x128xf32, #tpu.memory_space<hbm>>) target(%arg8 : memref<128x128xf32, #tpu.memory_space<vmem>>) offsets(%dma_start3A_12 : memref<128xi32, #tpu.memory_space<vmem>>) semaphore(%arg13 : memref<!tpu.dma_semaphore, #tpu.memory_space<semaphore_mem>>)
    %dma_start3A_16 = arith.constant 2 : i32
    %dma_start3A_17 = arith.constant 0 : i32
    %dma_start3A_18 = tpu.memref_slice %arg6[%dma_start3A_16, %dma_start3A_17] : memref<50x128xi32, #tpu.memory_space<vmem>> -> memref<1x128xi32, #tpu.memory_space<vmem>>
    %dma_start3A_19 = tpu.memref_squeeze %dma_start3A_18 : memref<1x128xi32, #tpu.memory_space<vmem>> -> memref<128xi32, #tpu.memory_space<vmem>>
    %dma_start3A_20 = arith.constant 0 : i32
    %dma_start3A_21 = arith.constant 0 : i32
    %dma_start3A_22 = tpu.memref_slice %arg3[%dma_start3A_20, %dma_start3A_21] : memref<100000x128xf32, #tpu.memory_space<hbm>> -> memref<100000x128xf32, #tpu.memory_space<hbm>>
    tpu.enqueue_indirect_dma source(%dma_start3A_22 : memref<100000x128xf32, #tpu.memory_space<hbm>>) target(%arg9 : memref<128x128xf32, #tpu.memory_space<vmem>>) offsets(%dma_start3A_19 : memref<128xi32, #tpu.memory_space<vmem>>) semaphore(%arg14 : memref<!tpu.dma_semaphore, #tpu.memory_space<semaphore_mem>>)
    %dma_wait3A = arith.constant 0 : i32
    %dma_wait3A_23 = arith.constant 0 : i32
    %dma_wait3A_24 = tpu.memref_slice %arg6[%dma_wait3A, %dma_wait3A_23] : memref<50x128xi32, #tpu.memory_space<vmem>> -> memref<1x128xi32, #tpu.memory_space<vmem>>
    %dma_wait3A_25 = tpu.memref_squeeze %dma_wait3A_24 : memref<1x128xi32, #tpu.memory_space<vmem>> -> memref<128xi32, #tpu.memory_space<vmem>>
    %dma_wait3A_26 = arith.constant 0 : i32
    %dma_wait3A_27 = arith.constant 0 : i32
    %dma_wait3A_28 = tpu.memref_slice %arg3[%dma_wait3A_26, %dma_wait3A_27] : memref<100000x128xf32, #tpu.memory_space<hbm>> -> memref<100000x128xf32, #tpu.memory_space<hbm>>
    tpu.wait_indirect_dma semaphore(%arg12 : memref<!tpu.dma_semaphore, #tpu.memory_space<semaphore_mem>>) src(%dma_wait3A_28 : memref<100000x128xf32, #tpu.memory_space<hbm>>) dst(%arg7 : memref<128x128xf32, #tpu.memory_space<vmem>>)
    %dma_start3A_29 = arith.constant 0 : i32
    %dma_start3A_30 = arith.constant 0 : i32
    %dma_start3A_31 = tpu.memref_slice %arg4[%dma_start3A_29, %mul3A_2, %dma_start3A_30] : memref<50x4096x128xf32, #tpu.memory_space<hbm>> -> memref<1x128x128xf32, #tpu.memory_space<hbm>>
    %dma_start3A_32 = tpu.memref_squeeze %dma_start3A_31 : memref<1x128x128xf32, #tpu.memory_space<hbm>> -> memref<128x128xf32, #tpu.memory_space<hbm>>
    %dma_start3A_33 = arith.constant 0 : i32
    %dma_start3A_34 = tpu.memref_slice %arg4[%dma_start3A_29, %mul3A_2, %dma_start3A_33] : memref<50x4096x128xf32, #tpu.memory_space<hbm>> -> memref<1x128x128xf32, #tpu.memory_space<hbm>>
    %dma_start3A_35 = tpu.memref_squeeze %dma_start3A_34 : memref<1x128x128xf32, #tpu.memory_space<hbm>> -> memref<128x128xf32, #tpu.memory_space<hbm>>
    tpu.enqueue_dma source(%arg7 : memref<128x128xf32, #tpu.memory_space<vmem>>) target(%dma_start3A_35 : memref<128x128xf32, #tpu.memory_space<hbm>>) target_semaphore(%arg17 : memref<!tpu.dma_semaphore, #tpu.memory_space<semaphore_mem>>)
    %dma_start3A_36 = arith.constant 0 : i32
    %dma_start3A_37 = arith.constant 0 : i32
    %dma_start3A_38 = tpu.memref_slice %arg5[%dma_start3A_36, %mul3A_2, %dma_start3A_37] : memref<50x4096x128xf32, #tpu.memory_space<hbm>> -> memref<1x128x128xf32, #tpu.memory_space<hbm>>
    %dma_start3A_39 = tpu.memref_squeeze %dma_start3A_38 : memref<1x128x128xf32, #tpu.memory_space<hbm>> -> memref<128x128xf32, #tpu.memory_space<hbm>>
    %dma_start3A_40 = arith.constant 0 : i32
    %dma_start3A_41 = tpu.memref_slice %arg5[%dma_start3A_36, %mul3A_2, %dma_start3A_40] : memref<50x4096x128xf32, #tpu.memory_space<hbm>> -> memref<1x128x128xf32, #tpu.memory_space<hbm>>
    %dma_start3A_42 = tpu.memref_squeeze %dma_start3A_41 : memref<1x128x128xf32, #tpu.memory_space<hbm>> -> memref<128x128xf32, #tpu.memory_space<hbm>>
    tpu.enqueue_dma source(%arg7 : memref<128x128xf32, #tpu.memory_space<vmem>>) target(%dma_start3A_42 : memref<128x128xf32, #tpu.memory_space<hbm>>) target_semaphore(%arg17 : memref<!tpu.dma_semaphore, #tpu.memory_space<semaphore_mem>>)
    %dma_start3A_43 = arith.constant 3 : i32
    %dma_start3A_44 = arith.constant 0 : i32
    %dma_start3A_45 = tpu.memref_slice %arg6[%dma_start3A_43, %dma_start3A_44] : memref<50x128xi32, #tpu.memory_space<vmem>> -> memref<1x128xi32, #tpu.memory_space<vmem>>
    %dma_start3A_46 = tpu.memref_squeeze %dma_start3A_45 : memref<1x128xi32, #tpu.memory_space<vmem>> -> memref<128xi32, #tpu.memory_space<vmem>>
    %dma_start3A_47 = arith.constant 0 : i32
    %dma_start3A_48 = arith.constant 0 : i32
    %dma_start3A_49 = tpu.memref_slice %arg3[%dma_start3A_47, %dma_start3A_48] : memref<100000x128xf32, #tpu.memory_space<hbm>> -> memref<100000x128xf32, #tpu.memory_space<hbm>>
    tpu.enqueue_indirect_dma source(%dma_start3A_49 : memref<100000x128xf32, #tpu.memory_space<hbm>>) target(%arg10 : memref<128x128xf32, #tpu.memory_space<vmem>>) offsets(%dma_start3A_46 : memref<128xi32, #tpu.memory_space<vmem>>) semaphore(%arg15 : memref<!tpu.dma_semaphore, #tpu.memory_space<semaphore_mem>>)
    %dma_wait3A_50 = arith.constant 1 : i32
    %dma_wait3A_51 = arith.constant 0 : i32
    %dma_wait3A_52 = tpu.memref_slice %arg6[%dma_wait3A_50, %dma_wait3A_51] : memref<50x128xi32, #tpu.memory_space<vmem>> -> memref<1x128xi32, #tpu.memory_space<vmem>>
    %dma_wait3A_53 = tpu.memref_squeeze %dma_wait3A_52 : memref<1x128xi32, #tpu.memory_space<vmem>> -> memref<128xi32, #tpu.memory_space<vmem>>
    %dma_wait3A_54 = arith.constant 0 : i32
    %dma_wait3A_55 = arith.constant 0 : i32
    %dma_wait3A_56 = tpu.memref_slice %arg3[%dma_wait3A_54, %dma_wait3A_55] : memref<100000x128xf32, #tpu.memory_space<hbm>> -> memref<100000x128xf32, #tpu.memory_space<hbm>>
    tpu.wait_indirect_dma semaphore(%arg13 : memref<!tpu.dma_semaphore, #tpu.memory_space<semaphore_mem>>) src(%dma_wait3A_56 : memref<100000x128xf32, #tpu.memory_space<hbm>>) dst(%arg8 : memref<128x128xf32, #tpu.memory_space<vmem>>)
    %dma_start3A_57 = arith.constant 1 : i32
    %dma_start3A_58 = arith.constant 0 : i32
    %dma_start3A_59 = tpu.memref_slice %arg4[%dma_start3A_57, %mul3A_2, %dma_start3A_58] : memref<50x4096x128xf32, #tpu.memory_space<hbm>> -> memref<1x128x128xf32, #tpu.memory_space<hbm>>
    %dma_start3A_60 = tpu.memref_squeeze %dma_start3A_59 : memref<1x128x128xf32, #tpu.memory_space<hbm>> -> memref<128x128xf32, #tpu.memory_space<hbm>>
    %dma_start3A_61 = arith.constant 0 : i32
    %dma_start3A_62 = tpu.memref_slice %arg4[%dma_start3A_57, %mul3A_2, %dma_start3A_61] : memref<50x4096x128xf32, #tpu.memory_space<hbm>> -> memref<1x128x128xf32, #tpu.memory_space<hbm>>
    %dma_start3A_63 = tpu.memref_squeeze %dma_start3A_62 : memref<1x128x128xf32, #tpu.memory_space<hbm>> -> memref<128x128xf32, #tpu.memory_space<hbm>>
    tpu.enqueue_dma source(%arg8 : memref<128x128xf32, #tpu.memory_space<vmem>>) target(%dma_start3A_63 : memref<128x128xf32, #tpu.memory_space<hbm>>) target_semaphore(%arg18 : memref<!tpu.dma_semaphore, #tpu.memory_space<semaphore_mem>>)
    %dma_start3A_64 = arith.constant 1 : i32
    %dma_start3A_65 = arith.constant 0 : i32
    %dma_start3A_66 = tpu.memref_slice %arg5[%dma_start3A_64, %mul3A_2, %dma_start3A_65] : memref<50x4096x128xf32, #tpu.memory_space<hbm>> -> memref<1x128x128xf32, #tpu.memory_space<hbm>>
    %dma_start3A_67 = tpu.memref_squeeze %dma_start3A_66 : memref<1x128x128xf32, #tpu.memory_space<hbm>> -> memref<128x128xf32, #tpu.memory_space<hbm>>
    %dma_start3A_68 = arith.constant 0 : i32
    %dma_start3A_69 = tpu.memref_slice %arg5[%dma_start3A_64, %mul3A_2, %dma_start3A_68] : memref<50x4096x128xf32, #tpu.memory_space<hbm>> -> memref<1x128x128xf32, #tpu.memory_space<hbm>>
    %dma_start3A_70 = tpu.memref_squeeze %dma_start3A_69 : memref<1x128x128xf32, #tpu.memory_space<hbm>> -> memref<128x128xf32, #tpu.memory_space<hbm>>
    tpu.enqueue_dma source(%arg8 : memref<128x128xf32, #tpu.memory_space<vmem>>) target(%dma_start3A_70 : memref<128x128xf32, #tpu.memory_space<hbm>>) target_semaphore(%arg18 : memref<!tpu.dma_semaphore, #tpu.memory_space<semaphore_mem>>)
    %dma_start3A_71 = arith.constant 4 : i32
    %dma_start3A_72 = arith.constant 0 : i32
    %dma_start3A_73 = tpu.memref_slice %arg6[%dma_start3A_71, %dma_start3A_72] : memref<50x128xi32, #tpu.memory_space<vmem>> -> memref<1x128xi32, #tpu.memory_space<vmem>>
    %dma_start3A_74 = tpu.memref_squeeze %dma_start3A_73 : memref<1x128xi32, #tpu.memory_space<vmem>> -> memref<128xi32, #tpu.memory_space<vmem>>
    %dma_start3A_75 = arith.constant 0 : i32
    %dma_start3A_76 = arith.constant 0 : i32
    %dma_start3A_77 = tpu.memref_slice %arg3[%dma_start3A_75, %dma_start3A_76] : memref<100000x128xf32, #tpu.memory_space<hbm>> -> memref<100000x128xf32, #tpu.memory_space<hbm>>
    tpu.enqueue_indirect_dma source(%dma_start3A_77 : memref<100000x128xf32, #tpu.memory_space<hbm>>) target(%arg11 : memref<128x128xf32, #tpu.memory_space<vmem>>) offsets(%dma_start3A_74 : memref<128xi32, #tpu.memory_space<vmem>>) semaphore(%arg16 : memref<!tpu.dma_semaphore, #tpu.memory_space<semaphore_mem>>)
    %dma_wait3A_78 = arith.constant 2 : i32
    %dma_wait3A_79 = arith.constant 0 : i32
    %dma_wait3A_80 = tpu.memref_slice %arg6[%dma_wait3A_78, %dma_wait3A_79] : memref<50x128xi32, #tpu.memory_space<vmem>> -> memref<1x128xi32, #tpu.memory_space<vmem>>
    %dma_wait3A_81 = tpu.memref_squeeze %dma_wait3A_80 : memref<1x128xi32, #tpu.memory_space<vmem>> -> memref<128xi32, #tpu.memory_space<vmem>>
    %dma_wait3A_82 = arith.constant 0 : i32
    %dma_wait3A_83 = arith.constant 0 : i32
    %dma_wait3A_84 = tpu.memref_slice %arg3[%dma_wait3A_82, %dma_wait3A_83] : memref<100000x128xf32, #tpu.memory_space<hbm>> -> memref<100000x128xf32, #tpu.memory_space<hbm>>
    tpu.wait_indirect_dma semaphore(%arg14 : memref<!tpu.dma_semaphore, #tpu.memory_space<semaphore_mem>>) src(%dma_wait3A_84 : memref<100000x128xf32, #tpu.memory_space<hbm>>) dst(%arg9 : memref<128x128xf32, #tpu.memory_space<vmem>>)
    %dma_start3A_85 = arith.constant 2 : i32
    %dma_start3A_86 = arith.constant 0 : i32
    %dma_start3A_87 = tpu.memref_slice %arg4[%dma_start3A_85, %mul3A_2, %dma_start3A_86] : memref<50x4096x128xf32, #tpu.memory_space<hbm>> -> memref<1x128x128xf32, #tpu.memory_space<hbm>>
    %dma_start3A_88 = tpu.memref_squeeze %dma_start3A_87 : memref<1x128x128xf32, #tpu.memory_space<hbm>> -> memref<128x128xf32, #tpu.memory_space<hbm>>
    %dma_start3A_89 = arith.constant 0 : i32
    %dma_start3A_90 = tpu.memref_slice %arg4[%dma_start3A_85, %mul3A_2, %dma_start3A_89] : memref<50x4096x128xf32, #tpu.memory_space<hbm>> -> memref<1x128x128xf32, #tpu.memory_space<hbm>>
    %dma_start3A_91 = tpu.memref_squeeze %dma_start3A_90 : memref<1x128x128xf32, #tpu.memory_space<hbm>> -> memref<128x128xf32, #tpu.memory_space<hbm>>
    tpu.enqueue_dma source(%arg9 : memref<128x128xf32, #tpu.memory_space<vmem>>) target(%dma_start3A_91 : memref<128x128xf32, #tpu.memory_space<hbm>>) target_semaphore(%arg19 : memref<!tpu.dma_semaphore, #tpu.memory_space<semaphore_mem>>)
    %dma_start3A_92 = arith.constant 2 : i32
    %dma_start3A_93 = arith.constant 0 : i32
    %dma_start3A_94 = tpu.memref_slice %arg5[%dma_start3A_92, %mul3A_2, %dma_start3A_93] : memref<50x4096x128xf32, #tpu.memory_space<hbm>> -> memref<1x128x128xf32, #tpu.memory_space<hbm>>
    %dma_start3A_95 = tpu.memref_squeeze %dma_start3A_94 : memref<1x128x128xf32, #tpu.memory_space<hbm>> -> memref<128x128xf32, #tpu.memory_space<hbm>>
    %dma_start3A_96 = arith.constant 0 : i32
    %dma_start3A_97 = tpu.memref_slice %arg5[%dma_start3A_92, %mul3A_2, %dma_start3A_96] : memref<50x4096x128xf32, #tpu.memory_space<hbm>> -> memref<1x128x128xf32, #tpu.memory_space<hbm>>
    %dma_start3A_98 = tpu.memref_squeeze %dma_start3A_97 : memref<1x128x128xf32, #tpu.memory_space<hbm>> -> memref<128x128xf32, #tpu.memory_space<hbm>>
    tpu.enqueue_dma source(%arg9 : memref<128x128xf32, #tpu.memory_space<vmem>>) target(%dma_start3A_98 : memref<128x128xf32, #tpu.memory_space<hbm>>) target_semaphore(%arg19 : memref<!tpu.dma_semaphore, #tpu.memory_space<semaphore_mem>>)
    %dma_wait3A_99 = arith.constant 0 : i32
    %dma_wait3A_100 = arith.constant 0 : i32
    %dma_wait3A_101 = tpu.memref_slice %arg4[%dma_wait3A_99, %mul3A_2, %dma_wait3A_100] : memref<50x4096x128xf32, #tpu.memory_space<hbm>> -> memref<1x128x128xf32, #tpu.memory_space<hbm>>
    %dma_wait3A_102 = tpu.memref_squeeze %dma_wait3A_101 : memref<1x128x128xf32, #tpu.memory_space<hbm>> -> memref<128x128xf32, #tpu.memory_space<hbm>>
    %dma_wait3A_103 = arith.constant 0 : i32
    %dma_wait3A_104 = tpu.memref_slice %arg4[%dma_wait3A_99, %mul3A_2, %dma_wait3A_103] : memref<50x4096x128xf32, #tpu.memory_space<hbm>> -> memref<1x128x128xf32, #tpu.memory_space<hbm>>
    %dma_wait3A_105 = tpu.memref_squeeze %dma_wait3A_104 : memref<1x128x128xf32, #tpu.memory_space<hbm>> -> memref<128x128xf32, #tpu.memory_space<hbm>>
    tpu.wait_dma2 semaphore(%arg17 : memref<!tpu.dma_semaphore, #tpu.memory_space<semaphore_mem>>) src(%arg7 : memref<128x128xf32, #tpu.memory_space<vmem>>) dst(%dma_wait3A_105 : memref<128x128xf32, #tpu.memory_space<hbm>>)
    %dma_wait3A_106 = arith.constant 0 : i32
    %dma_wait3A_107 = arith.constant 0 : i32
    %dma_wait3A_108 = tpu.memref_slice %arg5[%dma_wait3A_106, %mul3A_2, %dma_wait3A_107] : memref<50x4096x128xf32, #tpu.memory_space<hbm>> -> memref<1x128x128xf32, #tpu.memory_space<hbm>>
    %dma_wait3A_109 = tpu.memref_squeeze %dma_wait3A_108 : memref<1x128x128xf32, #tpu.memory_space<hbm>> -> memref<128x128xf32, #tpu.memory_space<hbm>>
    %dma_wait3A_110 = arith.constant 0 : i32
    %dma_wait3A_111 = tpu.memref_slice %arg5[%dma_wait3A_106, %mul3A_2, %dma_wait3A_110] : memref<50x4096x128xf32, #tpu.memory_space<hbm>> -> memref<1x128x128xf32, #tpu.memory_space<hbm>>
    %dma_wait3A_112 = tpu.memref_squeeze %dma_wait3A_111 : memref<1x128x128xf32, #tpu.memory_space<hbm>> -> memref<128x128xf32, #tpu.memory_space<hbm>>
    tpu.wait_dma2 semaphore(%arg17 : memref<!tpu.dma_semaphore, #tpu.memory_space<semaphore_mem>>) src(%arg7 : memref<128x128xf32, #tpu.memory_space<vmem>>) dst(%dma_wait3A_112 : memref<128x128xf32, #tpu.memory_space<hbm>>)
    %dma_start3A_113 = arith.constant 5 : i32
    %dma_start3A_114 = arith.constant 0 : i32
    %dma_start3A_115 = tpu.memref_slice %arg6[%dma_start3A_113, %dma_start3A_114] : memref<50x128xi32, #tpu.memory_space<vmem>> -> memref<1x128xi32, #tpu.memory_space<vmem>>
    %dma_start3A_116 = tpu.memref_squeeze %dma_start3A_115 : memref<1x128xi32, #tpu.memory_space<vmem>> -> memref<128xi32, #tpu.memory_space<vmem>>
    %dma_start3A_117 = arith.constant 0 : i32
    %dma_start3A_118 = arith.constant 0 : i32
    %dma_start3A_119 = tpu.memref_slice %arg3[%dma_start3A_117, %dma_start3A_118] : memref<100000x128xf32, #tpu.memory_space<hbm>> -> memref<100000x128xf32, #tpu.memory_space<hbm>>
    tpu.enqueue_indirect_dma source(%dma_start3A_119 : memref<100000x128xf32, #tpu.memory_space<hbm>>) target(%arg7 : memref<128x128xf32, #tpu.memory_space<vmem>>) offsets(%dma_start3A_116 : memref<128xi32, #tpu.memory_space<vmem>>) semaphore(%arg12 : memref<!tpu.dma_semaphore, #tpu.memory_space<semaphore_mem>>)
    %dma_wait3A_120 = arith.constant 3 : i32
    %dma_wait3A_121 = arith.constant 0 : i32
    %dma_wait3A_122 = tpu.memref_slice %arg6[%dma_wait3A_120, %dma_wait3A_121] : memref<50x128xi32, #tpu.memory_space<vmem>> -> memref<1x128xi32, #tpu.memory_space<vmem>>
    %dma_wait3A_123 = tpu.memref_squeeze %dma_wait3A_122 : memref<1x128xi32, #tpu.memory_space<vmem>> -> memref<128xi32, #tpu.memory_space<vmem>>
    %dma_wait3A_124 = arith.constant 0 : i32
    %dma_wait3A_125 = arith.constant 0 : i32
    %dma_wait3A_126 = tpu.memref_slice %arg3[%dma_wait3A_124, %dma_wait3A_125] : memref<100000x128xf32, #tpu.memory_space<hbm>> -> memref<100000x128xf32, #tpu.memory_space<hbm>>
    tpu.wait_indirect_dma semaphore(%arg15 : memref<!tpu.dma_semaphore, #tpu.memory_space<semaphore_mem>>) src(%dma_wait3A_126 : memref<100000x128xf32, #tpu.memory_space<hbm>>) dst(%arg10 : memref<128x128xf32, #tpu.memory_space<vmem>>)
    %dma_start3A_127 = arith.constant 3 : i32
    %dma_start3A_128 = arith.constant 0 : i32
    %dma_start3A_129 = tpu.memref_slice %arg4[%dma_start3A_127, %mul3A_2, %dma_start3A_128] : memref<50x4096x128xf32, #tpu.memory_space<hbm>> -> memref<1x128x128xf32, #tpu.memory_space<hbm>>
    %dma_start3A_130 = tpu.memref_squeeze %dma_start3A_129 : memref<1x128x128xf32, #tpu.memory_space<hbm>> -> memref<128x128xf32, #tpu.memory_space<hbm>>
    %dma_start3A_131 = arith.constant 0 : i32
    %dma_start3A_132 = tpu.memref_slice %arg4[%dma_start3A_127, %mul3A_2, %dma_start3A_131] : memref<50x4096x128xf32, #tpu.memory_space<hbm>> -> memref<1x128x128xf32, #tpu.memory_space<hbm>>
    %dma_start3A_133 = tpu.memref_squeeze %dma_start3A_132 : memref<1x128x128xf32, #tpu.memory_space<hbm>> -> memref<128x128xf32, #tpu.memory_space<hbm>>
    tpu.enqueue_dma source(%arg10 : memref<128x128xf32, #tpu.memory_space<vmem>>) target(%dma_start3A_133 : memref<128x128xf32, #tpu.memory_space<hbm>>) target_semaphore(%arg20 : memref<!tpu.dma_semaphore, #tpu.memory_space<semaphore_mem>>)
    %dma_start3A_134 = arith.constant 3 : i32
    %dma_start3A_135 = arith.constant 0 : i32
    %dma_start3A_136 = tpu.memref_slice %arg5[%dma_start3A_134, %mul3A_2, %dma_start3A_135] : memref<50x4096x128xf32, #tpu.memory_space<hbm>> -> memref<1x128x128xf32, #tpu.memory_space<hbm>>
    %dma_start3A_137 = tpu.memref_squeeze %dma_start3A_136 : memref<1x128x128xf32, #tpu.memory_space<hbm>> -> memref<128x128xf32, #tpu.memory_space<hbm>>
    %dma_start3A_138 = arith.constant 0 : i32
    %dma_start3A_139 = tpu.memref_slice %arg5[%dma_start3A_134, %mul3A_2, %dma_start3A_138] : memref<50x4096x128xf32, #tpu.memory_space<hbm>> -> memref<1x128x128xf32, #tpu.memory_space<hbm>>
    %dma_start3A_140 = tpu.memref_squeeze %dma_start3A_139 : memref<1x128x128xf32, #tpu.memory_space<hbm>> -> memref<128x128xf32, #tpu.memory_space<hbm>>
    tpu.enqueue_dma source(%arg10 : memref<128x128xf32, #tpu.memory_space<vmem>>) target(%dma_start3A_140 : memref<128x128xf32, #tpu.memory_space<hbm>>) target_semaphore(%arg20 : memref<!tpu.dma_semaphore, #tpu.memory_space<semaphore_mem>>)
    %dma_wait3A_141 = arith.constant 0 : i32
    %dma_wait3A_142 = arith.constant 0 : i32
    %dma_wait3A_143 = tpu.memref_slice %arg4[%dma_wait3A_141, %mul3A_2, %dma_wait3A_142] : memref<50x4096x128xf32, #tpu.memory_space<hbm>> -> memref<1x128x128xf32, #tpu.memory_space<hbm>>
    %dma_wait3A_144 = tpu.memref_squeeze %dma_wait3A_143 : memref<1x128x128xf32, #tpu.memory_space<hbm>> -> memref<128x128xf32, #tpu.memory_space<hbm>>
    %dma_wait3A_145 = arith.constant 0 : i32
    %dma_wait3A_146 = tpu.memref_slice %arg4[%dma_wait3A_141, %mul3A_2, %dma_wait3A_145] : memref<50x4096x128xf32, #tpu.memory_space<hbm>> -> memref<1x128x128xf32, #tpu.memory_space<hbm>>
    %dma_wait3A_147 = tpu.memref_squeeze %dma_wait3A_146 : memref<1x128x128xf32, #tpu.memory_space<hbm>> -> memref<128x128xf32, #tpu.memory_space<hbm>>
    tpu.wait_dma2 semaphore(%arg18 : memref<!tpu.dma_semaphore, #tpu.memory_space<semaphore_mem>>) src(%arg8 : memref<128x128xf32, #tpu.memory_space<vmem>>) dst(%dma_wait3A_147 : memref<128x128xf32, #tpu.memory_space<hbm>>)
    %dma_wait3A_148 = arith.constant 0 : i32
    %dma_wait3A_149 = arith.constant 0 : i32
    %dma_wait3A_150 = tpu.memref_slice %arg5[%dma_wait3A_148, %mul3A_2, %dma_wait3A_149] : memref<50x4096x128xf32, #tpu.memory_space<hbm>> -> memref<1x128x128xf32, #tpu.memory_space<hbm>>
    %dma_wait3A_151 = tpu.memref_squeeze %dma_wait3A_150 : memref<1x128x128xf32, #tpu.memory_space<hbm>> -> memref<128x128xf32, #tpu.memory_space<hbm>>
    %dma_wait3A_152 = arith.constant 0 : i32
    %dma_wait3A_153 = tpu.memref_slice %arg5[%dma_wait3A_148, %mul3A_2, %dma_wait3A_152] : memref<50x4096x128xf32, #tpu.memory_space<hbm>> -> memref<1x128x128xf32, #tpu.memory_space<hbm>>
    %dma_wait3A_154 = tpu.memref_squeeze %dma_wait3A_153 : memref<1x128x128xf32, #tpu.memory_space<hbm>> -> memref<128x128xf32, #tpu.memory_space<hbm>>
    tpu.wait_dma2 semaphore(%arg18 : memref<!tpu.dma_semaphore, #tpu.memory_space<semaphore_mem>>) src(%arg8 : memref<128x128xf32, #tpu.memory_space<vmem>>) dst(%dma_wait3A_154 : memref<128x128xf32, #tpu.memory_space<hbm>>)
    %dma_start3A_155 = arith.constant 6 : i32
    %dma_start3A_156 = arith.constant 0 : i32
    %dma_start3A_157 = tpu.memref_slice %arg6[%dma_start3A_155, %dma_start3A_156] : memref<50x128xi32, #tpu.memory_space<vmem>> -> memref<1x128xi32, #tpu.memory_space<vmem>>
    %dma_start3A_158 = tpu.memref_squeeze %dma_start3A_157 : memref<1x128xi32, #tpu.memory_space<vmem>> -> memref<128xi32, #tpu.memory_space<vmem>>
    %dma_start3A_159 = arith.constant 0 : i32
    %dma_start3A_160 = arith.constant 0 : i32
    %dma_start3A_161 = tpu.memref_slice %arg3[%dma_start3A_159, %dma_start3A_160] : memref<100000x128xf32, #tpu.memory_space<hbm>> -> memref<100000x128xf32, #tpu.memory_space<hbm>>
    tpu.enqueue_indirect_dma source(%dma_start3A_161 : memref<100000x128xf32, #tpu.memory_space<hbm>>) target(%arg8 : memref<128x128xf32, #tpu.memory_space<vmem>>) offsets(%dma_start3A_158 : memref<128xi32, #tpu.memory_space<vmem>>) semaphore(%arg13 : memref<!tpu.dma_semaphore, #tpu.memory_space<semaphore_mem>>)
    %dma_wait3A_162 = arith.constant 4 : i32
    %dma_wait3A_163 = arith.constant 0 : i32
    %dma_wait3A_164 = tpu.memref_slice %arg6[%dma_wait3A_162, %dma_wait3A_163] : memref<50x128xi32, #tpu.memory_space<vmem>> -> memref<1x128xi32, #tpu.memory_space<vmem>>
    %dma_wait3A_165 = tpu.memref_squeeze %dma_wait3A_164 : memref<1x128xi32, #tpu.memory_space<vmem>> -> memref<128xi32, #tpu.memory_space<vmem>>
    %dma_wait3A_166 = arith.constant 0 : i32
    %dma_wait3A_167 = arith.constant 0 : i32
    %dma_wait3A_168 = tpu.memref_slice %arg3[%dma_wait3A_166, %dma_wait3A_167] : memref<100000x128xf32, #tpu.memory_space<hbm>> -> memref<100000x128xf32, #tpu.memory_space<hbm>>
    tpu.wait_indirect_dma semaphore(%arg16 : memref<!tpu.dma_semaphore, #tpu.memory_space<semaphore_mem>>) src(%dma_wait3A_168 : memref<100000x128xf32, #tpu.memory_space<hbm>>) dst(%arg11 : memref<128x128xf32, #tpu.memory_space<vmem>>)
    %dma_start3A_169 = arith.constant 4 : i32
    %dma_start3A_170 = arith.constant 0 : i32
    %dma_start3A_171 = tpu.memref_slice %arg4[%dma_start3A_169, %mul3A_2, %dma_start3A_170] : memref<50x4096x128xf32, #tpu.memory_space<hbm>> -> memref<1x128x128xf32, #tpu.memory_space<hbm>>
    %dma_start3A_172 = tpu.memref_squeeze %dma_start3A_171 : memref<1x128x128xf32, #tpu.memory_space<hbm>> -> memref<128x128xf32, #tpu.memory_space<hbm>>
    %dma_start3A_173 = arith.constant 0 : i32
    %dma_start3A_174 = tpu.memref_slice %arg4[%dma_start3A_169, %mul3A_2, %dma_start3A_173] : memref<50x4096x128xf32, #tpu.memory_space<hbm>> -> memref<1x128x128xf32, #tpu.memory_space<hbm>>
    %dma_start3A_175 = tpu.memref_squeeze %dma_start3A_174 : memref<1x128x128xf32, #tpu.memory_space<hbm>> -> memref<128x128xf32, #tpu.memory_space<hbm>>
    tpu.enqueue_dma source(%arg11 : memref<128x128xf32, #tpu.memory_space<vmem>>) target(%dma_start3A_175 : memref<128x128xf32, #tpu.memory_space<hbm>>) target_semaphore(%arg21 : memref<!tpu.dma_semaphore, #tpu.memory_space<semaphore_mem>>)
    %dma_start3A_176 = arith.constant 4 : i32
    %dma_start3A_177 = arith.constant 0 : i32
    %dma_start3A_178 = tpu.memref_slice %arg5[%dma_start3A_176, %mul3A_2, %dma_start3A_177] : memref<50x4096x128xf32, #tpu.memory_space<hbm>> -> memref<1x128x128xf32, #tpu.memory_space<hbm>>
    %dma_start3A_179 = tpu.memref_squeeze %dma_start3A_178 : memref<1x128x128xf32, #tpu.memory_space<hbm>> -> memref<128x128xf32, #tpu.memory_space<hbm>>
    %dma_start3A_180 = arith.constant 0 : i32
    %dma_start3A_181 = tpu.memref_slice %arg5[%dma_start3A_176, %mul3A_2, %dma_start3A_180] : memref<50x4096x128xf32, #tpu.memory_space<hbm>> -> memref<1x128x128xf32, #tpu.memory_space<hbm>>
    %dma_start3A_182 = tpu.memref_squeeze %dma_start3A_181 : memref<1x128x128xf32, #tpu.memory_space<hbm>> -> memref<128x128xf32, #tpu.memory_space<hbm>>
    tpu.enqueue_dma source(%arg11 : memref<128x128xf32, #tpu.memory_space<vmem>>) target(%dma_start3A_182 : memref<128x128xf32, #tpu.memory_space<hbm>>) target_semaphore(%arg21 : memref<!tpu.dma_semaphore, #tpu.memory_space<semaphore_mem>>)
    %scan3A = arith.constant 0 : i32
    %scan3A_183 = arith.constant 1 : i32
    %scan3A_184 = arith.constant 8 : i32
    %scan3A_185 = arith.addi %scan3A_183, %scan3A_184 : i32
    %scan3A_186 = arith.constant 1 : i32
    scf.for %scan3A_426 = %scan3A_183 to %scan3A_185 step %scan3A_186  : i32 {
      %mul3A_427 = arith.constant 5 : i32
      %mul3A_428 = arith.muli %scan3A_426, %mul3A_427 : i32
      %add3A_429 = arith.constant 0 : i32
      %add3A_430 = arith.addi %mul3A_428, %add3A_429 : i32
      %dma_wait3A_431 = arith.constant 0 : i32
      %dma_wait3A_432 = arith.constant 0 : i32
      %dma_wait3A_433 = tpu.memref_slice %arg4[%dma_wait3A_431, %mul3A_2, %dma_wait3A_432] : memref<50x4096x128xf32, #tpu.memory_space<hbm>> -> memref<1x128x128xf32, #tpu.memory_space<hbm>>
      %dma_wait3A_434 = tpu.memref_squeeze %dma_wait3A_433 : memref<1x128x128xf32, #tpu.memory_space<hbm>> -> memref<128x128xf32, #tpu.memory_space<hbm>>
      %dma_wait3A_435 = arith.constant 0 : i32
      %dma_wait3A_436 = tpu.memref_slice %arg4[%dma_wait3A_431, %mul3A_2, %dma_wait3A_435] : memref<50x4096x128xf32, #tpu.memory_space<hbm>> -> memref<1x128x128xf32, #tpu.memory_space<hbm>>
      %dma_wait3A_437 = tpu.memref_squeeze %dma_wait3A_436 : memref<1x128x128xf32, #tpu.memory_space<hbm>> -> memref<128x128xf32, #tpu.memory_space<hbm>>
      tpu.wait_dma2 semaphore(%arg19 : memref<!tpu.dma_semaphore, #tpu.memory_space<semaphore_mem>>) src(%arg9 : memref<128x128xf32, #tpu.memory_space<vmem>>) dst(%dma_wait3A_437 : memref<128x128xf32, #tpu.memory_space<hbm>>)
      %dma_wait3A_438 = arith.constant 0 : i32
      %dma_wait3A_439 = arith.constant 0 : i32
      %dma_wait3A_440 = tpu.memref_slice %arg5[%dma_wait3A_438, %mul3A_2, %dma_wait3A_439] : memref<50x4096x128xf32, #tpu.memory_space<hbm>> -> memref<1x128x128xf32, #tpu.memory_space<hbm>>
      %dma_wait3A_441 = tpu.memref_squeeze %dma_wait3A_440 : memref<1x128x128xf32, #tpu.memory_space<hbm>> -> memref<128x128xf32, #tpu.memory_space<hbm>>
      %dma_wait3A_442 = arith.constant 0 : i32
      %dma_wait3A_443 = tpu.memref_slice %arg5[%dma_wait3A_438, %mul3A_2, %dma_wait3A_442] : memref<50x4096x128xf32, #tpu.memory_space<hbm>> -> memref<1x128x128xf32, #tpu.memory_space<hbm>>
      %dma_wait3A_444 = tpu.memref_squeeze %dma_wait3A_443 : memref<1x128x128xf32, #tpu.memory_space<hbm>> -> memref<128x128xf32, #tpu.memory_space<hbm>>
      tpu.wait_dma2 semaphore(%arg19 : memref<!tpu.dma_semaphore, #tpu.memory_space<semaphore_mem>>) src(%arg9 : memref<128x128xf32, #tpu.memory_space<vmem>>) dst(%dma_wait3A_444 : memref<128x128xf32, #tpu.memory_space<hbm>>)
      %add3A_445 = arith.constant 2 : i32
      %add3A_446 = arith.addi %add3A_430, %add3A_445 : i32
      %dma_start3A_447 = arith.constant 0 : i32
      %dma_start3A_448 = tpu.memref_slice %arg6[%add3A_446, %dma_start3A_447] : memref<50x128xi32, #tpu.memory_space<vmem>> -> memref<1x128xi32, #tpu.memory_space<vmem>>
      %dma_start3A_449 = tpu.memref_squeeze %dma_start3A_448 : memref<1x128xi32, #tpu.memory_space<vmem>> -> memref<128xi32, #tpu.memory_space<vmem>>
      %dma_start3A_450 = arith.constant 0 : i32
      %dma_start3A_451 = arith.constant 0 : i32
      %dma_start3A_452 = tpu.memref_slice %arg3[%dma_start3A_450, %dma_start3A_451] : memref<100000x128xf32, #tpu.memory_space<hbm>> -> memref<100000x128xf32, #tpu.memory_space<hbm>>
      tpu.enqueue_indirect_dma source(%dma_start3A_452 : memref<100000x128xf32, #tpu.memory_space<hbm>>) target(%arg9 : memref<128x128xf32, #tpu.memory_space<vmem>>) offsets(%dma_start3A_449 : memref<128xi32, #tpu.memory_space<vmem>>) semaphore(%arg14 : memref<!tpu.dma_semaphore, #tpu.memory_space<semaphore_mem>>)
      %dma_wait3A_453 = arith.constant 0 : i32
      %dma_wait3A_454 = tpu.memref_slice %arg6[%add3A_430, %dma_wait3A_453] : memref<50x128xi32, #tpu.memory_space<vmem>> -> memref<1x128xi32, #tpu.memory_space<vmem>>
      %dma_wait3A_455 = tpu.memref_squeeze %dma_wait3A_454 : memref<1x128xi32, #tpu.memory_space<vmem>> -> memref<128xi32, #tpu.memory_space<vmem>>
      %dma_wait3A_456 = arith.constant 0 : i32
      %dma_wait3A_457 = arith.constant 0 : i32
      %dma_wait3A_458 = tpu.memref_slice %arg3[%dma_wait3A_456, %dma_wait3A_457] : memref<100000x128xf32, #tpu.memory_space<hbm>> -> memref<100000x128xf32, #tpu.memory_space<hbm>>
      tpu.wait_indirect_dma semaphore(%arg12 : memref<!tpu.dma_semaphore, #tpu.memory_space<semaphore_mem>>) src(%dma_wait3A_458 : memref<100000x128xf32, #tpu.memory_space<hbm>>) dst(%arg7 : memref<128x128xf32, #tpu.memory_space<vmem>>)
      %dma_start3A_459 = arith.constant 0 : i32
      %dma_start3A_460 = tpu.memref_slice %arg4[%add3A_430, %mul3A_2, %dma_start3A_459] : memref<50x4096x128xf32, #tpu.memory_space<hbm>> -> memref<1x128x128xf32, #tpu.memory_space<hbm>>
      %dma_start3A_461 = tpu.memref_squeeze %dma_start3A_460 : memref<1x128x128xf32, #tpu.memory_space<hbm>> -> memref<128x128xf32, #tpu.memory_space<hbm>>
      %dma_start3A_462 = arith.constant 0 : i32
      %dma_start3A_463 = tpu.memref_slice %arg4[%add3A_430, %mul3A_2, %dma_start3A_462] : memref<50x4096x128xf32, #tpu.memory_space<hbm>> -> memref<1x128x128xf32, #tpu.memory_space<hbm>>
      %dma_start3A_464 = tpu.memref_squeeze %dma_start3A_463 : memref<1x128x128xf32, #tpu.memory_space<hbm>> -> memref<128x128xf32, #tpu.memory_space<hbm>>
      tpu.enqueue_dma source(%arg7 : memref<128x128xf32, #tpu.memory_space<vmem>>) target(%dma_start3A_464 : memref<128x128xf32, #tpu.memory_space<hbm>>) target_semaphore(%arg17 : memref<!tpu.dma_semaphore, #tpu.memory_space<semaphore_mem>>)
      %dma_start3A_465 = arith.constant 0 : i32
      %dma_start3A_466 = tpu.memref_slice %arg5[%add3A_430, %mul3A_2, %dma_start3A_465] : memref<50x4096x128xf32, #tpu.memory_space<hbm>> -> memref<1x128x128xf32, #tpu.memory_space<hbm>>
      %dma_start3A_467 = tpu.memref_squeeze %dma_start3A_466 : memref<1x128x128xf32, #tpu.memory_space<hbm>> -> memref<128x128xf32, #tpu.memory_space<hbm>>
      %dma_start3A_468 = arith.constant 0 : i32
      %dma_start3A_469 = tpu.memref_slice %arg5[%add3A_430, %mul3A_2, %dma_start3A_468] : memref<50x4096x128xf32, #tpu.memory_space<hbm>> -> memref<1x128x128xf32, #tpu.memory_space<hbm>>
      %dma_start3A_470 = tpu.memref_squeeze %dma_start3A_469 : memref<1x128x128xf32, #tpu.memory_space<hbm>> -> memref<128x128xf32, #tpu.memory_space<hbm>>
      tpu.enqueue_dma source(%arg7 : memref<128x128xf32, #tpu.memory_space<vmem>>) target(%dma_start3A_470 : memref<128x128xf32, #tpu.memory_space<hbm>>) target_semaphore(%arg17 : memref<!tpu.dma_semaphore, #tpu.memory_space<semaphore_mem>>)
      %mul3A_471 = arith.constant 5 : i32
      %mul3A_472 = arith.muli %scan3A_426, %mul3A_471 : i32
      %add3A_473 = arith.constant 1 : i32
      %add3A_474 = arith.addi %mul3A_472, %add3A_473 : i32
      %dma_wait3A_475 = arith.constant 0 : i32
      %dma_wait3A_476 = arith.constant 0 : i32
      %dma_wait3A_477 = tpu.memref_slice %arg4[%dma_wait3A_475, %mul3A_2, %dma_wait3A_476] : memref<50x4096x128xf32, #tpu.memory_space<hbm>> -> memref<1x128x128xf32, #tpu.memory_space<hbm>>
      %dma_wait3A_478 = tpu.memref_squeeze %dma_wait3A_477 : memref<1x128x128xf32, #tpu.memory_space<hbm>> -> memref<128x128xf32, #tpu.memory_space<hbm>>
      %dma_wait3A_479 = arith.constant 0 : i32
      %dma_wait3A_480 = tpu.memref_slice %arg4[%dma_wait3A_475, %mul3A_2, %dma_wait3A_479] : memref<50x4096x128xf32, #tpu.memory_space<hbm>> -> memref<1x128x128xf32, #tpu.memory_space<hbm>>
      %dma_wait3A_481 = tpu.memref_squeeze %dma_wait3A_480 : memref<1x128x128xf32, #tpu.memory_space<hbm>> -> memref<128x128xf32, #tpu.memory_space<hbm>>
      tpu.wait_dma2 semaphore(%arg20 : memref<!tpu.dma_semaphore, #tpu.memory_space<semaphore_mem>>) src(%arg10 : memref<128x128xf32, #tpu.memory_space<vmem>>) dst(%dma_wait3A_481 : memref<128x128xf32, #tpu.memory_space<hbm>>)
      %dma_wait3A_482 = arith.constant 0 : i32
      %dma_wait3A_483 = arith.constant 0 : i32
      %dma_wait3A_484 = tpu.memref_slice %arg5[%dma_wait3A_482, %mul3A_2, %dma_wait3A_483] : memref<50x4096x128xf32, #tpu.memory_space<hbm>> -> memref<1x128x128xf32, #tpu.memory_space<hbm>>
      %dma_wait3A_485 = tpu.memref_squeeze %dma_wait3A_484 : memref<1x128x128xf32, #tpu.memory_space<hbm>> -> memref<128x128xf32, #tpu.memory_space<hbm>>
      %dma_wait3A_486 = arith.constant 0 : i32
      %dma_wait3A_487 = tpu.memref_slice %arg5[%dma_wait3A_482, %mul3A_2, %dma_wait3A_486] : memref<50x4096x128xf32, #tpu.memory_space<hbm>> -> memref<1x128x128xf32, #tpu.memory_space<hbm>>
      %dma_wait3A_488 = tpu.memref_squeeze %dma_wait3A_487 : memref<1x128x128xf32, #tpu.memory_space<hbm>> -> memref<128x128xf32, #tpu.memory_space<hbm>>
      tpu.wait_dma2 semaphore(%arg20 : memref<!tpu.dma_semaphore, #tpu.memory_space<semaphore_mem>>) src(%arg10 : memref<128x128xf32, #tpu.memory_space<vmem>>) dst(%dma_wait3A_488 : memref<128x128xf32, #tpu.memory_space<hbm>>)
      %add3A_489 = arith.constant 2 : i32
      %add3A_490 = arith.addi %add3A_474, %add3A_489 : i32
      %dma_start3A_491 = arith.constant 0 : i32
      %dma_start3A_492 = tpu.memref_slice %arg6[%add3A_490, %dma_start3A_491] : memref<50x128xi32, #tpu.memory_space<vmem>> -> memref<1x128xi32, #tpu.memory_space<vmem>>
      %dma_start3A_493 = tpu.memref_squeeze %dma_start3A_492 : memref<1x128xi32, #tpu.memory_space<vmem>> -> memref<128xi32, #tpu.memory_space<vmem>>
      %dma_start3A_494 = arith.constant 0 : i32
      %dma_start3A_495 = arith.constant 0 : i32
      %dma_start3A_496 = tpu.memref_slice %arg3[%dma_start3A_494, %dma_start3A_495] : memref<100000x128xf32, #tpu.memory_space<hbm>> -> memref<100000x128xf32, #tpu.memory_space<hbm>>
      tpu.enqueue_indirect_dma source(%dma_start3A_496 : memref<100000x128xf32, #tpu.memory_space<hbm>>) target(%arg10 : memref<128x128xf32, #tpu.memory_space<vmem>>) offsets(%dma_start3A_493 : memref<128xi32, #tpu.memory_space<vmem>>) semaphore(%arg15 : memref<!tpu.dma_semaphore, #tpu.memory_space<semaphore_mem>>)
      %dma_wait3A_497 = arith.constant 0 : i32
      %dma_wait3A_498 = tpu.memref_slice %arg6[%add3A_474, %dma_wait3A_497] : memref<50x128xi32, #tpu.memory_space<vmem>> -> memref<1x128xi32, #tpu.memory_space<vmem>>
      %dma_wait3A_499 = tpu.memref_squeeze %dma_wait3A_498 : memref<1x128xi32, #tpu.memory_space<vmem>> -> memref<128xi32, #tpu.memory_space<vmem>>
      %dma_wait3A_500 = arith.constant 0 : i32
      %dma_wait3A_501 = arith.constant 0 : i32
      %dma_wait3A_502 = tpu.memref_slice %arg3[%dma_wait3A_500, %dma_wait3A_501] : memref<100000x128xf32, #tpu.memory_space<hbm>> -> memref<100000x128xf32, #tpu.memory_space<hbm>>
      tpu.wait_indirect_dma semaphore(%arg13 : memref<!tpu.dma_semaphore, #tpu.memory_space<semaphore_mem>>) src(%dma_wait3A_502 : memref<100000x128xf32, #tpu.memory_space<hbm>>) dst(%arg8 : memref<128x128xf32, #tpu.memory_space<vmem>>)
      %dma_start3A_503 = arith.constant 0 : i32
      %dma_start3A_504 = tpu.memref_slice %arg4[%add3A_474, %mul3A_2, %dma_start3A_503] : memref<50x4096x128xf32, #tpu.memory_space<hbm>> -> memref<1x128x128xf32, #tpu.memory_space<hbm>>
      %dma_start3A_505 = tpu.memref_squeeze %dma_start3A_504 : memref<1x128x128xf32, #tpu.memory_space<hbm>> -> memref<128x128xf32, #tpu.memory_space<hbm>>
      %dma_start3A_506 = arith.constant 0 : i32
      %dma_start3A_507 = tpu.memref_slice %arg4[%add3A_474, %mul3A_2, %dma_start3A_506] : memref<50x4096x128xf32, #tpu.memory_space<hbm>> -> memref<1x128x128xf32, #tpu.memory_space<hbm>>
      %dma_start3A_508 = tpu.memref_squeeze %dma_start3A_507 : memref<1x128x128xf32, #tpu.memory_space<hbm>> -> memref<128x128xf32, #tpu.memory_space<hbm>>
      tpu.enqueue_dma source(%arg8 : memref<128x128xf32, #tpu.memory_space<vmem>>) target(%dma_start3A_508 : memref<128x128xf32, #tpu.memory_space<hbm>>) target_semaphore(%arg18 : memref<!tpu.dma_semaphore, #tpu.memory_space<semaphore_mem>>)
      %dma_start3A_509 = arith.constant 0 : i32
      %dma_start3A_510 = tpu.memref_slice %arg5[%add3A_474, %mul3A_2, %dma_start3A_509] : memref<50x4096x128xf32, #tpu.memory_space<hbm>> -> memref<1x128x128xf32, #tpu.memory_space<hbm>>
      %dma_start3A_511 = tpu.memref_squeeze %dma_start3A_510 : memref<1x128x128xf32, #tpu.memory_space<hbm>> -> memref<128x128xf32, #tpu.memory_space<hbm>>
      %dma_start3A_512 = arith.constant 0 : i32
      %dma_start3A_513 = tpu.memref_slice %arg5[%add3A_474, %mul3A_2, %dma_start3A_512] : memref<50x4096x128xf32, #tpu.memory_space<hbm>> -> memref<1x128x128xf32, #tpu.memory_space<hbm>>
      %dma_start3A_514 = tpu.memref_squeeze %dma_start3A_513 : memref<1x128x128xf32, #tpu.memory_space<hbm>> -> memref<128x128xf32, #tpu.memory_space<hbm>>
      tpu.enqueue_dma source(%arg8 : memref<128x128xf32, #tpu.memory_space<vmem>>) target(%dma_start3A_514 : memref<128x128xf32, #tpu.memory_space<hbm>>) target_semaphore(%arg18 : memref<!tpu.dma_semaphore, #tpu.memory_space<semaphore_mem>>)
      %mul3A_515 = arith.constant 5 : i32
      %mul3A_516 = arith.muli %scan3A_426, %mul3A_515 : i32
      %add3A_517 = arith.constant 2 : i32
      %add3A_518 = arith.addi %mul3A_516, %add3A_517 : i32
      %dma_wait3A_519 = arith.constant 0 : i32
      %dma_wait3A_520 = arith.constant 0 : i32
      %dma_wait3A_521 = tpu.memref_slice %arg4[%dma_wait3A_519, %mul3A_2, %dma_wait3A_520] : memref<50x4096x128xf32, #tpu.memory_space<hbm>> -> memref<1x128x128xf32, #tpu.memory_space<hbm>>
      %dma_wait3A_522 = tpu.memref_squeeze %dma_wait3A_521 : memref<1x128x128xf32, #tpu.memory_space<hbm>> -> memref<128x128xf32, #tpu.memory_space<hbm>>
      %dma_wait3A_523 = arith.constant 0 : i32
      %dma_wait3A_524 = tpu.memref_slice %arg4[%dma_wait3A_519, %mul3A_2, %dma_wait3A_523] : memref<50x4096x128xf32, #tpu.memory_space<hbm>> -> memref<1x128x128xf32, #tpu.memory_space<hbm>>
      %dma_wait3A_525 = tpu.memref_squeeze %dma_wait3A_524 : memref<1x128x128xf32, #tpu.memory_space<hbm>> -> memref<128x128xf32, #tpu.memory_space<hbm>>
      tpu.wait_dma2 semaphore(%arg21 : memref<!tpu.dma_semaphore, #tpu.memory_space<semaphore_mem>>) src(%arg11 : memref<128x128xf32, #tpu.memory_space<vmem>>) dst(%dma_wait3A_525 : memref<128x128xf32, #tpu.memory_space<hbm>>)
      %dma_wait3A_526 = arith.constant 0 : i32
      %dma_wait3A_527 = arith.constant 0 : i32
      %dma_wait3A_528 = tpu.memref_slice %arg5[%dma_wait3A_526, %mul3A_2, %dma_wait3A_527] : memref<50x4096x128xf32, #tpu.memory_space<hbm>> -> memref<1x128x128xf32, #tpu.memory_space<hbm>>
      %dma_wait3A_529 = tpu.memref_squeeze %dma_wait3A_528 : memref<1x128x128xf32, #tpu.memory_space<hbm>> -> memref<128x128xf32, #tpu.memory_space<hbm>>
      %dma_wait3A_530 = arith.constant 0 : i32
      %dma_wait3A_531 = tpu.memref_slice %arg5[%dma_wait3A_526, %mul3A_2, %dma_wait3A_530] : memref<50x4096x128xf32, #tpu.memory_space<hbm>> -> memref<1x128x128xf32, #tpu.memory_space<hbm>>
      %dma_wait3A_532 = tpu.memref_squeeze %dma_wait3A_531 : memref<1x128x128xf32, #tpu.memory_space<hbm>> -> memref<128x128xf32, #tpu.memory_space<hbm>>
      tpu.wait_dma2 semaphore(%arg21 : memref<!tpu.dma_semaphore, #tpu.memory_space<semaphore_mem>>) src(%arg11 : memref<128x128xf32, #tpu.memory_space<vmem>>) dst(%dma_wait3A_532 : memref<128x128xf32, #tpu.memory_space<hbm>>)
      %add3A_533 = arith.constant 2 : i32
      %add3A_534 = arith.addi %add3A_518, %add3A_533 : i32
      %dma_start3A_535 = arith.constant 0 : i32
      %dma_start3A_536 = tpu.memref_slice %arg6[%add3A_534, %dma_start3A_535] : memref<50x128xi32, #tpu.memory_space<vmem>> -> memref<1x128xi32, #tpu.memory_space<vmem>>
      %dma_start3A_537 = tpu.memref_squeeze %dma_start3A_536 : memref<1x128xi32, #tpu.memory_space<vmem>> -> memref<128xi32, #tpu.memory_space<vmem>>
      %dma_start3A_538 = arith.constant 0 : i32
      %dma_start3A_539 = arith.constant 0 : i32
      %dma_start3A_540 = tpu.memref_slice %arg3[%dma_start3A_538, %dma_start3A_539] : memref<100000x128xf32, #tpu.memory_space<hbm>> -> memref<100000x128xf32, #tpu.memory_space<hbm>>
      tpu.enqueue_indirect_dma source(%dma_start3A_540 : memref<100000x128xf32, #tpu.memory_space<hbm>>) target(%arg11 : memref<128x128xf32, #tpu.memory_space<vmem>>) offsets(%dma_start3A_537 : memref<128xi32, #tpu.memory_space<vmem>>) semaphore(%arg16 : memref<!tpu.dma_semaphore, #tpu.memory_space<semaphore_mem>>)
      %dma_wait3A_541 = arith.constant 0 : i32
      %dma_wait3A_542 = tpu.memref_slice %arg6[%add3A_518, %dma_wait3A_541] : memref<50x128xi32, #tpu.memory_space<vmem>> -> memref<1x128xi32, #tpu.memory_space<vmem>>
      %dma_wait3A_543 = tpu.memref_squeeze %dma_wait3A_542 : memref<1x128xi32, #tpu.memory_space<vmem>> -> memref<128xi32, #tpu.memory_space<vmem>>
      %dma_wait3A_544 = arith.constant 0 : i32
      %dma_wait3A_545 = arith.constant 0 : i32
      %dma_wait3A_546 = tpu.memref_slice %arg3[%dma_wait3A_544, %dma_wait3A_545] : memref<100000x128xf32, #tpu.memory_space<hbm>> -> memref<100000x128xf32, #tpu.memory_space<hbm>>
      tpu.wait_indirect_dma semaphore(%arg14 : memref<!tpu.dma_semaphore, #tpu.memory_space<semaphore_mem>>) src(%dma_wait3A_546 : memref<100000x128xf32, #tpu.memory_space<hbm>>) dst(%arg9 : memref<128x128xf32, #tpu.memory_space<vmem>>)
      %dma_start3A_547 = arith.constant 0 : i32
      %dma_start3A_548 = tpu.memref_slice %arg4[%add3A_518, %mul3A_2, %dma_start3A_547] : memref<50x4096x128xf32, #tpu.memory_space<hbm>> -> memref<1x128x128xf32, #tpu.memory_space<hbm>>
      %dma_start3A_549 = tpu.memref_squeeze %dma_start3A_548 : memref<1x128x128xf32, #tpu.memory_space<hbm>> -> memref<128x128xf32, #tpu.memory_space<hbm>>
      %dma_start3A_550 = arith.constant 0 : i32
      %dma_start3A_551 = tpu.memref_slice %arg4[%add3A_518, %mul3A_2, %dma_start3A_550] : memref<50x4096x128xf32, #tpu.memory_space<hbm>> -> memref<1x128x128xf32, #tpu.memory_space<hbm>>
      %dma_start3A_552 = tpu.memref_squeeze %dma_start3A_551 : memref<1x128x128xf32, #tpu.memory_space<hbm>> -> memref<128x128xf32, #tpu.memory_space<hbm>>
      tpu.enqueue_dma source(%arg9 : memref<128x128xf32, #tpu.memory_space<vmem>>) target(%dma_start3A_552 : memref<128x128xf32, #tpu.memory_space<hbm>>) target_semaphore(%arg19 : memref<!tpu.dma_semaphore, #tpu.memory_space<semaphore_mem>>)
      %dma_start3A_553 = arith.constant 0 : i32
      %dma_start3A_554 = tpu.memref_slice %arg5[%add3A_518, %mul3A_2, %dma_start3A_553] : memref<50x4096x128xf32, #tpu.memory_space<hbm>> -> memref<1x128x128xf32, #tpu.memory_space<hbm>>
      %dma_start3A_555 = tpu.memref_squeeze %dma_start3A_554 : memref<1x128x128xf32, #tpu.memory_space<hbm>> -> memref<128x128xf32, #tpu.memory_space<hbm>>
      %dma_start3A_556 = arith.constant 0 : i32
      %dma_start3A_557 = tpu.memref_slice %arg5[%add3A_518, %mul3A_2, %dma_start3A_556] : memref<50x4096x128xf32, #tpu.memory_space<hbm>> -> memref<1x128x128xf32, #tpu.memory_space<hbm>>
      %dma_start3A_558 = tpu.memref_squeeze %dma_start3A_557 : memref<1x128x128xf32, #tpu.memory_space<hbm>> -> memref<128x128xf32, #tpu.memory_space<hbm>>
      tpu.enqueue_dma source(%arg9 : memref<128x128xf32, #tpu.memory_space<vmem>>) target(%dma_start3A_558 : memref<128x128xf32, #tpu.memory_space<hbm>>) target_semaphore(%arg19 : memref<!tpu.dma_semaphore, #tpu.memory_space<semaphore_mem>>)
      %mul3A_559 = arith.constant 5 : i32
      %mul3A_560 = arith.muli %scan3A_426, %mul3A_559 : i32
      %add3A_561 = arith.constant 3 : i32
      %add3A_562 = arith.addi %mul3A_560, %add3A_561 : i32
      %dma_wait3A_563 = arith.constant 0 : i32
      %dma_wait3A_564 = arith.constant 0 : i32
      %dma_wait3A_565 = tpu.memref_slice %arg4[%dma_wait3A_563, %mul3A_2, %dma_wait3A_564] : memref<50x4096x128xf32, #tpu.memory_space<hbm>> -> memref<1x128x128xf32, #tpu.memory_space<hbm>>
      %dma_wait3A_566 = tpu.memref_squeeze %dma_wait3A_565 : memref<1x128x128xf32, #tpu.memory_space<hbm>> -> memref<128x128xf32, #tpu.memory_space<hbm>>
      %dma_wait3A_567 = arith.constant 0 : i32
      %dma_wait3A_568 = tpu.memref_slice %arg4[%dma_wait3A_563, %mul3A_2, %dma_wait3A_567] : memref<50x4096x128xf32, #tpu.memory_space<hbm>> -> memref<1x128x128xf32, #tpu.memory_space<hbm>>
      %dma_wait3A_569 = tpu.memref_squeeze %dma_wait3A_568 : memref<1x128x128xf32, #tpu.memory_space<hbm>> -> memref<128x128xf32, #tpu.memory_space<hbm>>
      tpu.wait_dma2 semaphore(%arg17 : memref<!tpu.dma_semaphore, #tpu.memory_space<semaphore_mem>>) src(%arg7 : memref<128x128xf32, #tpu.memory_space<vmem>>) dst(%dma_wait3A_569 : memref<128x128xf32, #tpu.memory_space<hbm>>)
      %dma_wait3A_570 = arith.constant 0 : i32
      %dma_wait3A_571 = arith.constant 0 : i32
      %dma_wait3A_572 = tpu.memref_slice %arg5[%dma_wait3A_570, %mul3A_2, %dma_wait3A_571] : memref<50x4096x128xf32, #tpu.memory_space<hbm>> -> memref<1x128x128xf32, #tpu.memory_space<hbm>>
      %dma_wait3A_573 = tpu.memref_squeeze %dma_wait3A_572 : memref<1x128x128xf32, #tpu.memory_space<hbm>> -> memref<128x128xf32, #tpu.memory_space<hbm>>
      %dma_wait3A_574 = arith.constant 0 : i32
      %dma_wait3A_575 = tpu.memref_slice %arg5[%dma_wait3A_570, %mul3A_2, %dma_wait3A_574] : memref<50x4096x128xf32, #tpu.memory_space<hbm>> -> memref<1x128x128xf32, #tpu.memory_space<hbm>>
      %dma_wait3A_576 = tpu.memref_squeeze %dma_wait3A_575 : memref<1x128x128xf32, #tpu.memory_space<hbm>> -> memref<128x128xf32, #tpu.memory_space<hbm>>
      tpu.wait_dma2 semaphore(%arg17 : memref<!tpu.dma_semaphore, #tpu.memory_space<semaphore_mem>>) src(%arg7 : memref<128x128xf32, #tpu.memory_space<vmem>>) dst(%dma_wait3A_576 : memref<128x128xf32, #tpu.memory_space<hbm>>)
      %add3A_577 = arith.constant 2 : i32
      %add3A_578 = arith.addi %add3A_562, %add3A_577 : i32
      %dma_start3A_579 = arith.constant 0 : i32
      %dma_start3A_580 = tpu.memref_slice %arg6[%add3A_578, %dma_start3A_579] : memref<50x128xi32, #tpu.memory_space<vmem>> -> memref<1x128xi32, #tpu.memory_space<vmem>>
      %dma_start3A_581 = tpu.memref_squeeze %dma_start3A_580 : memref<1x128xi32, #tpu.memory_space<vmem>> -> memref<128xi32, #tpu.memory_space<vmem>>
      %dma_start3A_582 = arith.constant 0 : i32
      %dma_start3A_583 = arith.constant 0 : i32
      %dma_start3A_584 = tpu.memref_slice %arg3[%dma_start3A_582, %dma_start3A_583] : memref<100000x128xf32, #tpu.memory_space<hbm>> -> memref<100000x128xf32, #tpu.memory_space<hbm>>
      tpu.enqueue_indirect_dma source(%dma_start3A_584 : memref<100000x128xf32, #tpu.memory_space<hbm>>) target(%arg7 : memref<128x128xf32, #tpu.memory_space<vmem>>) offsets(%dma_start3A_581 : memref<128xi32, #tpu.memory_space<vmem>>) semaphore(%arg12 : memref<!tpu.dma_semaphore, #tpu.memory_space<semaphore_mem>>)
      %dma_wait3A_585 = arith.constant 0 : i32
      %dma_wait3A_586 = tpu.memref_slice %arg6[%add3A_562, %dma_wait3A_585] : memref<50x128xi32, #tpu.memory_space<vmem>> -> memref<1x128xi32, #tpu.memory_space<vmem>>
      %dma_wait3A_587 = tpu.memref_squeeze %dma_wait3A_586 : memref<1x128xi32, #tpu.memory_space<vmem>> -> memref<128xi32, #tpu.memory_space<vmem>>
      %dma_wait3A_588 = arith.constant 0 : i32
      %dma_wait3A_589 = arith.constant 0 : i32
      %dma_wait3A_590 = tpu.memref_slice %arg3[%dma_wait3A_588, %dma_wait3A_589] : memref<100000x128xf32, #tpu.memory_space<hbm>> -> memref<100000x128xf32, #tpu.memory_space<hbm>>
      tpu.wait_indirect_dma semaphore(%arg15 : memref<!tpu.dma_semaphore, #tpu.memory_space<semaphore_mem>>) src(%dma_wait3A_590 : memref<100000x128xf32, #tpu.memory_space<hbm>>) dst(%arg10 : memref<128x128xf32, #tpu.memory_space<vmem>>)
      %dma_start3A_591 = arith.constant 0 : i32
      %dma_start3A_592 = tpu.memref_slice %arg4[%add3A_562, %mul3A_2, %dma_start3A_591] : memref<50x4096x128xf32, #tpu.memory_space<hbm>> -> memref<1x128x128xf32, #tpu.memory_space<hbm>>
      %dma_start3A_593 = tpu.memref_squeeze %dma_start3A_592 : memref<1x128x128xf32, #tpu.memory_space<hbm>> -> memref<128x128xf32, #tpu.memory_space<hbm>>
      %dma_start3A_594 = arith.constant 0 : i32
      %dma_start3A_595 = tpu.memref_slice %arg4[%add3A_562, %mul3A_2, %dma_start3A_594] : memref<50x4096x128xf32, #tpu.memory_space<hbm>> -> memref<1x128x128xf32, #tpu.memory_space<hbm>>
      %dma_start3A_596 = tpu.memref_squeeze %dma_start3A_595 : memref<1x128x128xf32, #tpu.memory_space<hbm>> -> memref<128x128xf32, #tpu.memory_space<hbm>>
      tpu.enqueue_dma source(%arg10 : memref<128x128xf32, #tpu.memory_space<vmem>>) target(%dma_start3A_596 : memref<128x128xf32, #tpu.memory_space<hbm>>) target_semaphore(%arg20 : memref<!tpu.dma_semaphore, #tpu.memory_space<semaphore_mem>>)
      %dma_start3A_597 = arith.constant 0 : i32
      %dma_start3A_598 = tpu.memref_slice %arg5[%add3A_562, %mul3A_2, %dma_start3A_597] : memref<50x4096x128xf32, #tpu.memory_space<hbm>> -> memref<1x128x128xf32, #tpu.memory_space<hbm>>
      %dma_start3A_599 = tpu.memref_squeeze %dma_start3A_598 : memref<1x128x128xf32, #tpu.memory_space<hbm>> -> memref<128x128xf32, #tpu.memory_space<hbm>>
      %dma_start3A_600 = arith.constant 0 : i32
      %dma_start3A_601 = tpu.memref_slice %arg5[%add3A_562, %mul3A_2, %dma_start3A_600] : memref<50x4096x128xf32, #tpu.memory_space<hbm>> -> memref<1x128x128xf32, #tpu.memory_space<hbm>>
      %dma_start3A_602 = tpu.memref_squeeze %dma_start3A_601 : memref<1x128x128xf32, #tpu.memory_space<hbm>> -> memref<128x128xf32, #tpu.memory_space<hbm>>
      tpu.enqueue_dma source(%arg10 : memref<128x128xf32, #tpu.memory_space<vmem>>) target(%dma_start3A_602 : memref<128x128xf32, #tpu.memory_space<hbm>>) target_semaphore(%arg20 : memref<!tpu.dma_semaphore, #tpu.memory_space<semaphore_mem>>)
      %mul3A_603 = arith.constant 5 : i32
      %mul3A_604 = arith.muli %scan3A_426, %mul3A_603 : i32
      %add3A_605 = arith.constant 4 : i32
      %add3A_606 = arith.addi %mul3A_604, %add3A_605 : i32
      %dma_wait3A_607 = arith.constant 0 : i32
      %dma_wait3A_608 = arith.constant 0 : i32
      %dma_wait3A_609 = tpu.memref_slice %arg4[%dma_wait3A_607, %mul3A_2, %dma_wait3A_608] : memref<50x4096x128xf32, #tpu.memory_space<hbm>> -> memref<1x128x128xf32, #tpu.memory_space<hbm>>
      %dma_wait3A_610 = tpu.memref_squeeze %dma_wait3A_609 : memref<1x128x128xf32, #tpu.memory_space<hbm>> -> memref<128x128xf32, #tpu.memory_space<hbm>>
      %dma_wait3A_611 = arith.constant 0 : i32
      %dma_wait3A_612 = tpu.memref_slice %arg4[%dma_wait3A_607, %mul3A_2, %dma_wait3A_611] : memref<50x4096x128xf32, #tpu.memory_space<hbm>> -> memref<1x128x128xf32, #tpu.memory_space<hbm>>
      %dma_wait3A_613 = tpu.memref_squeeze %dma_wait3A_612 : memref<1x128x128xf32, #tpu.memory_space<hbm>> -> memref<128x128xf32, #tpu.memory_space<hbm>>
      tpu.wait_dma2 semaphore(%arg18 : memref<!tpu.dma_semaphore, #tpu.memory_space<semaphore_mem>>) src(%arg8 : memref<128x128xf32, #tpu.memory_space<vmem>>) dst(%dma_wait3A_613 : memref<128x128xf32, #tpu.memory_space<hbm>>)
      %dma_wait3A_614 = arith.constant 0 : i32
      %dma_wait3A_615 = arith.constant 0 : i32
      %dma_wait3A_616 = tpu.memref_slice %arg5[%dma_wait3A_614, %mul3A_2, %dma_wait3A_615] : memref<50x4096x128xf32, #tpu.memory_space<hbm>> -> memref<1x128x128xf32, #tpu.memory_space<hbm>>
      %dma_wait3A_617 = tpu.memref_squeeze %dma_wait3A_616 : memref<1x128x128xf32, #tpu.memory_space<hbm>> -> memref<128x128xf32, #tpu.memory_space<hbm>>
      %dma_wait3A_618 = arith.constant 0 : i32
      %dma_wait3A_619 = tpu.memref_slice %arg5[%dma_wait3A_614, %mul3A_2, %dma_wait3A_618] : memref<50x4096x128xf32, #tpu.memory_space<hbm>> -> memref<1x128x128xf32, #tpu.memory_space<hbm>>
      %dma_wait3A_620 = tpu.memref_squeeze %dma_wait3A_619 : memref<1x128x128xf32, #tpu.memory_space<hbm>> -> memref<128x128xf32, #tpu.memory_space<hbm>>
      tpu.wait_dma2 semaphore(%arg18 : memref<!tpu.dma_semaphore, #tpu.memory_space<semaphore_mem>>) src(%arg8 : memref<128x128xf32, #tpu.memory_space<vmem>>) dst(%dma_wait3A_620 : memref<128x128xf32, #tpu.memory_space<hbm>>)
      %add3A_621 = arith.constant 2 : i32
      %add3A_622 = arith.addi %add3A_606, %add3A_621 : i32
      %dma_start3A_623 = arith.constant 0 : i32
      %dma_start3A_624 = tpu.memref_slice %arg6[%add3A_622, %dma_start3A_623] : memref<50x128xi32, #tpu.memory_space<vmem>> -> memref<1x128xi32, #tpu.memory_space<vmem>>
      %dma_start3A_625 = tpu.memref_squeeze %dma_start3A_624 : memref<1x128xi32, #tpu.memory_space<vmem>> -> memref<128xi32, #tpu.memory_space<vmem>>
      %dma_start3A_626 = arith.constant 0 : i32
      %dma_start3A_627 = arith.constant 0 : i32
      %dma_start3A_628 = tpu.memref_slice %arg3[%dma_start3A_626, %dma_start3A_627] : memref<100000x128xf32, #tpu.memory_space<hbm>> -> memref<100000x128xf32, #tpu.memory_space<hbm>>
      tpu.enqueue_indirect_dma source(%dma_start3A_628 : memref<100000x128xf32, #tpu.memory_space<hbm>>) target(%arg8 : memref<128x128xf32, #tpu.memory_space<vmem>>) offsets(%dma_start3A_625 : memref<128xi32, #tpu.memory_space<vmem>>) semaphore(%arg13 : memref<!tpu.dma_semaphore, #tpu.memory_space<semaphore_mem>>)
      %dma_wait3A_629 = arith.constant 0 : i32
      %dma_wait3A_630 = tpu.memref_slice %arg6[%add3A_606, %dma_wait3A_629] : memref<50x128xi32, #tpu.memory_space<vmem>> -> memref<1x128xi32, #tpu.memory_space<vmem>>
      %dma_wait3A_631 = tpu.memref_squeeze %dma_wait3A_630 : memref<1x128xi32, #tpu.memory_space<vmem>> -> memref<128xi32, #tpu.memory_space<vmem>>
      %dma_wait3A_632 = arith.constant 0 : i32
      %dma_wait3A_633 = arith.constant 0 : i32
      %dma_wait3A_634 = tpu.memref_slice %arg3[%dma_wait3A_632, %dma_wait3A_633] : memref<100000x128xf32, #tpu.memory_space<hbm>> -> memref<100000x128xf32, #tpu.memory_space<hbm>>
      tpu.wait_indirect_dma semaphore(%arg16 : memref<!tpu.dma_semaphore, #tpu.memory_space<semaphore_mem>>) src(%dma_wait3A_634 : memref<100000x128xf32, #tpu.memory_space<hbm>>) dst(%arg11 : memref<128x128xf32, #tpu.memory_space<vmem>>)
      %dma_start3A_635 = arith.constant 0 : i32
      %dma_start3A_636 = tpu.memref_slice %arg4[%add3A_606, %mul3A_2, %dma_start3A_635] : memref<50x4096x128xf32, #tpu.memory_space<hbm>> -> memref<1x128x128xf32, #tpu.memory_space<hbm>>
      %dma_start3A_637 = tpu.memref_squeeze %dma_start3A_636 : memref<1x128x128xf32, #tpu.memory_space<hbm>> -> memref<128x128xf32, #tpu.memory_space<hbm>>
      %dma_start3A_638 = arith.constant 0 : i32
      %dma_start3A_639 = tpu.memref_slice %arg4[%add3A_606, %mul3A_2, %dma_start3A_638] : memref<50x4096x128xf32, #tpu.memory_space<hbm>> -> memref<1x128x128xf32, #tpu.memory_space<hbm>>
      %dma_start3A_640 = tpu.memref_squeeze %dma_start3A_639 : memref<1x128x128xf32, #tpu.memory_space<hbm>> -> memref<128x128xf32, #tpu.memory_space<hbm>>
      tpu.enqueue_dma source(%arg11 : memref<128x128xf32, #tpu.memory_space<vmem>>) target(%dma_start3A_640 : memref<128x128xf32, #tpu.memory_space<hbm>>) target_semaphore(%arg21 : memref<!tpu.dma_semaphore, #tpu.memory_space<semaphore_mem>>)
      %dma_start3A_641 = arith.constant 0 : i32
      %dma_start3A_642 = tpu.memref_slice %arg5[%add3A_606, %mul3A_2, %dma_start3A_641] : memref<50x4096x128xf32, #tpu.memory_space<hbm>> -> memref<1x128x128xf32, #tpu.memory_space<hbm>>
      %dma_start3A_643 = tpu.memref_squeeze %dma_start3A_642 : memref<1x128x128xf32, #tpu.memory_space<hbm>> -> memref<128x128xf32, #tpu.memory_space<hbm>>
      %dma_start3A_644 = arith.constant 0 : i32
      %dma_start3A_645 = tpu.memref_slice %arg5[%add3A_606, %mul3A_2, %dma_start3A_644] : memref<50x4096x128xf32, #tpu.memory_space<hbm>> -> memref<1x128x128xf32, #tpu.memory_space<hbm>>
      %dma_start3A_646 = tpu.memref_squeeze %dma_start3A_645 : memref<1x128x128xf32, #tpu.memory_space<hbm>> -> memref<128x128xf32, #tpu.memory_space<hbm>>
      tpu.enqueue_dma source(%arg11 : memref<128x128xf32, #tpu.memory_space<vmem>>) target(%dma_start3A_646 : memref<128x128xf32, #tpu.memory_space<hbm>>) target_semaphore(%arg21 : memref<!tpu.dma_semaphore, #tpu.memory_space<semaphore_mem>>)
    }
    %scan3A_187 = arith.constant 8 : i32
    %dma_wait3A_188 = arith.constant 0 : i32
    %dma_wait3A_189 = arith.constant 0 : i32
    %dma_wait3A_190 = tpu.memref_slice %arg4[%dma_wait3A_188, %mul3A_2, %dma_wait3A_189] : memref<50x4096x128xf32, #tpu.memory_space<hbm>> -> memref<1x128x128xf32, #tpu.memory_space<hbm>>
    %dma_wait3A_191 = tpu.memref_squeeze %dma_wait3A_190 : memref<1x128x128xf32, #tpu.memory_space<hbm>> -> memref<128x128xf32, #tpu.memory_space<hbm>>
    %dma_wait3A_192 = arith.constant 0 : i32
    %dma_wait3A_193 = tpu.memref_slice %arg4[%dma_wait3A_188, %mul3A_2, %dma_wait3A_192] : memref<50x4096x128xf32, #tpu.memory_space<hbm>> -> memref<1x128x128xf32, #tpu.memory_space<hbm>>
    %dma_wait3A_194 = tpu.memref_squeeze %dma_wait3A_193 : memref<1x128x128xf32, #tpu.memory_space<hbm>> -> memref<128x128xf32, #tpu.memory_space<hbm>>
    tpu.wait_dma2 semaphore(%arg19 : memref<!tpu.dma_semaphore, #tpu.memory_space<semaphore_mem>>) src(%arg9 : memref<128x128xf32, #tpu.memory_space<vmem>>) dst(%dma_wait3A_194 : memref<128x128xf32, #tpu.memory_space<hbm>>)
    %dma_wait3A_195 = arith.constant 0 : i32
    %dma_wait3A_196 = arith.constant 0 : i32
    %dma_wait3A_197 = tpu.memref_slice %arg5[%dma_wait3A_195, %mul3A_2, %dma_wait3A_196] : memref<50x4096x128xf32, #tpu.memory_space<hbm>> -> memref<1x128x128xf32, #tpu.memory_space<hbm>>
    %dma_wait3A_198 = tpu.memref_squeeze %dma_wait3A_197 : memref<1x128x128xf32, #tpu.memory_space<hbm>> -> memref<128x128xf32, #tpu.memory_space<hbm>>
    %dma_wait3A_199 = arith.constant 0 : i32
    %dma_wait3A_200 = tpu.memref_slice %arg5[%dma_wait3A_195, %mul3A_2, %dma_wait3A_199] : memref<50x4096x128xf32, #tpu.memory_space<hbm>> -> memref<1x128x128xf32, #tpu.memory_space<hbm>>
    %dma_wait3A_201 = tpu.memref_squeeze %dma_wait3A_200 : memref<1x128x128xf32, #tpu.memory_space<hbm>> -> memref<128x128xf32, #tpu.memory_space<hbm>>
    tpu.wait_dma2 semaphore(%arg19 : memref<!tpu.dma_semaphore, #tpu.memory_space<semaphore_mem>>) src(%arg9 : memref<128x128xf32, #tpu.memory_space<vmem>>) dst(%dma_wait3A_201 : memref<128x128xf32, #tpu.memory_space<hbm>>)
    %dma_start3A_202 = arith.constant 47 : i32
    %dma_start3A_203 = arith.constant 0 : i32
    %dma_start3A_204 = tpu.memref_slice %arg6[%dma_start3A_202, %dma_start3A_203] : memref<50x128xi32, #tpu.memory_space<vmem>> -> memref<1x128xi32, #tpu.memory_space<vmem>>
    %dma_start3A_205 = tpu.memref_squeeze %dma_start3A_204 : memref<1x128xi32, #tpu.memory_space<vmem>> -> memref<128xi32, #tpu.memory_space<vmem>>
    %dma_start3A_206 = arith.constant 0 : i32
    %dma_start3A_207 = arith.constant 0 : i32
    %dma_start3A_208 = tpu.memref_slice %arg3[%dma_start3A_206, %dma_start3A_207] : memref<100000x128xf32, #tpu.memory_space<hbm>> -> memref<100000x128xf32, #tpu.memory_space<hbm>>
    tpu.enqueue_indirect_dma source(%dma_start3A_208 : memref<100000x128xf32, #tpu.memory_space<hbm>>) target(%arg9 : memref<128x128xf32, #tpu.memory_space<vmem>>) offsets(%dma_start3A_205 : memref<128xi32, #tpu.memory_space<vmem>>) semaphore(%arg14 : memref<!tpu.dma_semaphore, #tpu.memory_space<semaphore_mem>>)
    %dma_wait3A_209 = arith.constant 45 : i32
    %dma_wait3A_210 = arith.constant 0 : i32
    %dma_wait3A_211 = tpu.memref_slice %arg6[%dma_wait3A_209, %dma_wait3A_210] : memref<50x128xi32, #tpu.memory_space<vmem>> -> memref<1x128xi32, #tpu.memory_space<vmem>>
    %dma_wait3A_212 = tpu.memref_squeeze %dma_wait3A_211 : memref<1x128xi32, #tpu.memory_space<vmem>> -> memref<128xi32, #tpu.memory_space<vmem>>
    %dma_wait3A_213 = arith.constant 0 : i32
    %dma_wait3A_214 = arith.constant 0 : i32
    %dma_wait3A_215 = tpu.memref_slice %arg3[%dma_wait3A_213, %dma_wait3A_214] : memref<100000x128xf32, #tpu.memory_space<hbm>> -> memref<100000x128xf32, #tpu.memory_space<hbm>>
    tpu.wait_indirect_dma semaphore(%arg12 : memref<!tpu.dma_semaphore, #tpu.memory_space<semaphore_mem>>) src(%dma_wait3A_215 : memref<100000x128xf32, #tpu.memory_space<hbm>>) dst(%arg7 : memref<128x128xf32, #tpu.memory_space<vmem>>)
    %dma_start3A_216 = arith.constant 45 : i32
    %dma_start3A_217 = arith.constant 0 : i32
    %dma_start3A_218 = tpu.memref_slice %arg4[%dma_start3A_216, %mul3A_2, %dma_start3A_217] : memref<50x4096x128xf32, #tpu.memory_space<hbm>> -> memref<1x128x128xf32, #tpu.memory_space<hbm>>
    %dma_start3A_219 = tpu.memref_squeeze %dma_start3A_218 : memref<1x128x128xf32, #tpu.memory_space<hbm>> -> memref<128x128xf32, #tpu.memory_space<hbm>>
    %dma_start3A_220 = arith.constant 0 : i32
    %dma_start3A_221 = tpu.memref_slice %arg4[%dma_start3A_216, %mul3A_2, %dma_start3A_220] : memref<50x4096x128xf32, #tpu.memory_space<hbm>> -> memref<1x128x128xf32, #tpu.memory_space<hbm>>
    %dma_start3A_222 = tpu.memref_squeeze %dma_start3A_221 : memref<1x128x128xf32, #tpu.memory_space<hbm>> -> memref<128x128xf32, #tpu.memory_space<hbm>>
    tpu.enqueue_dma source(%arg7 : memref<128x128xf32, #tpu.memory_space<vmem>>) target(%dma_start3A_222 : memref<128x128xf32, #tpu.memory_space<hbm>>) target_semaphore(%arg17 : memref<!tpu.dma_semaphore, #tpu.memory_space<semaphore_mem>>)
    %dma_start3A_223 = arith.constant 45 : i32
    %dma_start3A_224 = arith.constant 0 : i32
    %dma_start3A_225 = tpu.memref_slice %arg5[%dma_start3A_223, %mul3A_2, %dma_start3A_224] : memref<50x4096x128xf32, #tpu.memory_space<hbm>> -> memref<1x128x128xf32, #tpu.memory_space<hbm>>
    %dma_start3A_226 = tpu.memref_squeeze %dma_start3A_225 : memref<1x128x128xf32, #tpu.memory_space<hbm>> -> memref<128x128xf32, #tpu.memory_space<hbm>>
    %dma_start3A_227 = arith.constant 0 : i32
    %dma_start3A_228 = tpu.memref_slice %arg5[%dma_start3A_223, %mul3A_2, %dma_start3A_227] : memref<50x4096x128xf32, #tpu.memory_space<hbm>> -> memref<1x128x128xf32, #tpu.memory_space<hbm>>
    %dma_start3A_229 = tpu.memref_squeeze %dma_start3A_228 : memref<1x128x128xf32, #tpu.memory_space<hbm>> -> memref<128x128xf32, #tpu.memory_space<hbm>>
    tpu.enqueue_dma source(%arg7 : memref<128x128xf32, #tpu.memory_space<vmem>>) target(%dma_start3A_229 : memref<128x128xf32, #tpu.memory_space<hbm>>) target_semaphore(%arg17 : memref<!tpu.dma_semaphore, #tpu.memory_space<semaphore_mem>>)
    %dma_wait3A_230 = arith.constant 0 : i32
    %dma_wait3A_231 = arith.constant 0 : i32
    %dma_wait3A_232 = tpu.memref_slice %arg4[%dma_wait3A_230, %mul3A_2, %dma_wait3A_231] : memref<50x4096x128xf32, #tpu.memory_space<hbm>> -> memref<1x128x128xf32, #tpu.memory_space<hbm>>
    %dma_wait3A_233 = tpu.memref_squeeze %dma_wait3A_232 : memref<1x128x128xf32, #tpu.memory_space<hbm>> -> memref<128x128xf32, #tpu.memory_space<hbm>>
    %dma_wait3A_234 = arith.constant 0 : i32
    %dma_wait3A_235 = tpu.memref_slice %arg4[%dma_wait3A_230, %mul3A_2, %dma_wait3A_234] : memref<50x4096x128xf32, #tpu.memory_space<hbm>> -> memref<1x128x128xf32, #tpu.memory_space<hbm>>
    %dma_wait3A_236 = tpu.memref_squeeze %dma_wait3A_235 : memref<1x128x128xf32, #tpu.memory_space<hbm>> -> memref<128x128xf32, #tpu.memory_space<hbm>>
    tpu.wait_dma2 semaphore(%arg20 : memref<!tpu.dma_semaphore, #tpu.memory_space<semaphore_mem>>) src(%arg10 : memref<128x128xf32, #tpu.memory_space<vmem>>) dst(%dma_wait3A_236 : memref<128x128xf32, #tpu.memory_space<hbm>>)
    %dma_wait3A_237 = arith.constant 0 : i32
    %dma_wait3A_238 = arith.constant 0 : i32
    %dma_wait3A_239 = tpu.memref_slice %arg5[%dma_wait3A_237, %mul3A_2, %dma_wait3A_238] : memref<50x4096x128xf32, #tpu.memory_space<hbm>> -> memref<1x128x128xf32, #tpu.memory_space<hbm>>
    %dma_wait3A_240 = tpu.memref_squeeze %dma_wait3A_239 : memref<1x128x128xf32, #tpu.memory_space<hbm>> -> memref<128x128xf32, #tpu.memory_space<hbm>>
    %dma_wait3A_241 = arith.constant 0 : i32
    %dma_wait3A_242 = tpu.memref_slice %arg5[%dma_wait3A_237, %mul3A_2, %dma_wait3A_241] : memref<50x4096x128xf32, #tpu.memory_space<hbm>> -> memref<1x128x128xf32, #tpu.memory_space<hbm>>
    %dma_wait3A_243 = tpu.memref_squeeze %dma_wait3A_242 : memref<1x128x128xf32, #tpu.memory_space<hbm>> -> memref<128x128xf32, #tpu.memory_space<hbm>>
    tpu.wait_dma2 semaphore(%arg20 : memref<!tpu.dma_semaphore, #tpu.memory_space<semaphore_mem>>) src(%arg10 : memref<128x128xf32, #tpu.memory_space<vmem>>) dst(%dma_wait3A_243 : memref<128x128xf32, #tpu.memory_space<hbm>>)
    %dma_start3A_244 = arith.constant 48 : i32
    %dma_start3A_245 = arith.constant 0 : i32
    %dma_start3A_246 = tpu.memref_slice %arg6[%dma_start3A_244, %dma_start3A_245] : memref<50x128xi32, #tpu.memory_space<vmem>> -> memref<1x128xi32, #tpu.memory_space<vmem>>
    %dma_start3A_247 = tpu.memref_squeeze %dma_start3A_246 : memref<1x128xi32, #tpu.memory_space<vmem>> -> memref<128xi32, #tpu.memory_space<vmem>>
    %dma_start3A_248 = arith.constant 0 : i32
    %dma_start3A_249 = arith.constant 0 : i32
    %dma_start3A_250 = tpu.memref_slice %arg3[%dma_start3A_248, %dma_start3A_249] : memref<100000x128xf32, #tpu.memory_space<hbm>> -> memref<100000x128xf32, #tpu.memory_space<hbm>>
    tpu.enqueue_indirect_dma source(%dma_start3A_250 : memref<100000x128xf32, #tpu.memory_space<hbm>>) target(%arg10 : memref<128x128xf32, #tpu.memory_space<vmem>>) offsets(%dma_start3A_247 : memref<128xi32, #tpu.memory_space<vmem>>) semaphore(%arg15 : memref<!tpu.dma_semaphore, #tpu.memory_space<semaphore_mem>>)
    %dma_wait3A_251 = arith.constant 46 : i32
    %dma_wait3A_252 = arith.constant 0 : i32
    %dma_wait3A_253 = tpu.memref_slice %arg6[%dma_wait3A_251, %dma_wait3A_252] : memref<50x128xi32, #tpu.memory_space<vmem>> -> memref<1x128xi32, #tpu.memory_space<vmem>>
    %dma_wait3A_254 = tpu.memref_squeeze %dma_wait3A_253 : memref<1x128xi32, #tpu.memory_space<vmem>> -> memref<128xi32, #tpu.memory_space<vmem>>
    %dma_wait3A_255 = arith.constant 0 : i32
    %dma_wait3A_256 = arith.constant 0 : i32
    %dma_wait3A_257 = tpu.memref_slice %arg3[%dma_wait3A_255, %dma_wait3A_256] : memref<100000x128xf32, #tpu.memory_space<hbm>> -> memref<100000x128xf32, #tpu.memory_space<hbm>>
    tpu.wait_indirect_dma semaphore(%arg13 : memref<!tpu.dma_semaphore, #tpu.memory_space<semaphore_mem>>) src(%dma_wait3A_257 : memref<100000x128xf32, #tpu.memory_space<hbm>>) dst(%arg8 : memref<128x128xf32, #tpu.memory_space<vmem>>)
    %dma_start3A_258 = arith.constant 46 : i32
    %dma_start3A_259 = arith.constant 0 : i32
    %dma_start3A_260 = tpu.memref_slice %arg4[%dma_start3A_258, %mul3A_2, %dma_start3A_259] : memref<50x4096x128xf32, #tpu.memory_space<hbm>> -> memref<1x128x128xf32, #tpu.memory_space<hbm>>
    %dma_start3A_261 = tpu.memref_squeeze %dma_start3A_260 : memref<1x128x128xf32, #tpu.memory_space<hbm>> -> memref<128x128xf32, #tpu.memory_space<hbm>>
    %dma_start3A_262 = arith.constant 0 : i32
    %dma_start3A_263 = tpu.memref_slice %arg4[%dma_start3A_258, %mul3A_2, %dma_start3A_262] : memref<50x4096x128xf32, #tpu.memory_space<hbm>> -> memref<1x128x128xf32, #tpu.memory_space<hbm>>
    %dma_start3A_264 = tpu.memref_squeeze %dma_start3A_263 : memref<1x128x128xf32, #tpu.memory_space<hbm>> -> memref<128x128xf32, #tpu.memory_space<hbm>>
    tpu.enqueue_dma source(%arg8 : memref<128x128xf32, #tpu.memory_space<vmem>>) target(%dma_start3A_264 : memref<128x128xf32, #tpu.memory_space<hbm>>) target_semaphore(%arg18 : memref<!tpu.dma_semaphore, #tpu.memory_space<semaphore_mem>>)
    %dma_start3A_265 = arith.constant 46 : i32
    %dma_start3A_266 = arith.constant 0 : i32
    %dma_start3A_267 = tpu.memref_slice %arg5[%dma_start3A_265, %mul3A_2, %dma_start3A_266] : memref<50x4096x128xf32, #tpu.memory_space<hbm>> -> memref<1x128x128xf32, #tpu.memory_space<hbm>>
    %dma_start3A_268 = tpu.memref_squeeze %dma_start3A_267 : memref<1x128x128xf32, #tpu.memory_space<hbm>> -> memref<128x128xf32, #tpu.memory_space<hbm>>
    %dma_start3A_269 = arith.constant 0 : i32
    %dma_start3A_270 = tpu.memref_slice %arg5[%dma_start3A_265, %mul3A_2, %dma_start3A_269] : memref<50x4096x128xf32, #tpu.memory_space<hbm>> -> memref<1x128x128xf32, #tpu.memory_space<hbm>>
    %dma_start3A_271 = tpu.memref_squeeze %dma_start3A_270 : memref<1x128x128xf32, #tpu.memory_space<hbm>> -> memref<128x128xf32, #tpu.memory_space<hbm>>
    tpu.enqueue_dma source(%arg8 : memref<128x128xf32, #tpu.memory_space<vmem>>) target(%dma_start3A_271 : memref<128x128xf32, #tpu.memory_space<hbm>>) target_semaphore(%arg18 : memref<!tpu.dma_semaphore, #tpu.memory_space<semaphore_mem>>)
    %dma_wait3A_272 = arith.constant 0 : i32
    %dma_wait3A_273 = arith.constant 0 : i32
    %dma_wait3A_274 = tpu.memref_slice %arg4[%dma_wait3A_272, %mul3A_2, %dma_wait3A_273] : memref<50x4096x128xf32, #tpu.memory_space<hbm>> -> memref<1x128x128xf32, #tpu.memory_space<hbm>>
    %dma_wait3A_275 = tpu.memref_squeeze %dma_wait3A_274 : memref<1x128x128xf32, #tpu.memory_space<hbm>> -> memref<128x128xf32, #tpu.memory_space<hbm>>
    %dma_wait3A_276 = arith.constant 0 : i32
    %dma_wait3A_277 = tpu.memref_slice %arg4[%dma_wait3A_272, %mul3A_2, %dma_wait3A_276] : memref<50x4096x128xf32, #tpu.memory_space<hbm>> -> memref<1x128x128xf32, #tpu.memory_space<hbm>>
    %dma_wait3A_278 = tpu.memref_squeeze %dma_wait3A_277 : memref<1x128x128xf32, #tpu.memory_space<hbm>> -> memref<128x128xf32, #tpu.memory_space<hbm>>
    tpu.wait_dma2 semaphore(%arg21 : memref<!tpu.dma_semaphore, #tpu.memory_space<semaphore_mem>>) src(%arg11 : memref<128x128xf32, #tpu.memory_space<vmem>>) dst(%dma_wait3A_278 : memref<128x128xf32, #tpu.memory_space<hbm>>)
    %dma_wait3A_279 = arith.constant 0 : i32
    %dma_wait3A_280 = arith.constant 0 : i32
    %dma_wait3A_281 = tpu.memref_slice %arg5[%dma_wait3A_279, %mul3A_2, %dma_wait3A_280] : memref<50x4096x128xf32, #tpu.memory_space<hbm>> -> memref<1x128x128xf32, #tpu.memory_space<hbm>>
    %dma_wait3A_282 = tpu.memref_squeeze %dma_wait3A_281 : memref<1x128x128xf32, #tpu.memory_space<hbm>> -> memref<128x128xf32, #tpu.memory_space<hbm>>
    %dma_wait3A_283 = arith.constant 0 : i32
    %dma_wait3A_284 = tpu.memref_slice %arg5[%dma_wait3A_279, %mul3A_2, %dma_wait3A_283] : memref<50x4096x128xf32, #tpu.memory_space<hbm>> -> memref<1x128x128xf32, #tpu.memory_space<hbm>>
    %dma_wait3A_285 = tpu.memref_squeeze %dma_wait3A_284 : memref<1x128x128xf32, #tpu.memory_space<hbm>> -> memref<128x128xf32, #tpu.memory_space<hbm>>
    tpu.wait_dma2 semaphore(%arg21 : memref<!tpu.dma_semaphore, #tpu.memory_space<semaphore_mem>>) src(%arg11 : memref<128x128xf32, #tpu.memory_space<vmem>>) dst(%dma_wait3A_285 : memref<128x128xf32, #tpu.memory_space<hbm>>)
    %dma_start3A_286 = arith.constant 49 : i32
    %dma_start3A_287 = arith.constant 0 : i32
    %dma_start3A_288 = tpu.memref_slice %arg6[%dma_start3A_286, %dma_start3A_287] : memref<50x128xi32, #tpu.memory_space<vmem>> -> memref<1x128xi32, #tpu.memory_space<vmem>>
    %dma_start3A_289 = tpu.memref_squeeze %dma_start3A_288 : memref<1x128xi32, #tpu.memory_space<vmem>> -> memref<128xi32, #tpu.memory_space<vmem>>
    %dma_start3A_290 = arith.constant 0 : i32
    %dma_start3A_291 = arith.constant 0 : i32
    %dma_start3A_292 = tpu.memref_slice %arg3[%dma_start3A_290, %dma_start3A_291] : memref<100000x128xf32, #tpu.memory_space<hbm>> -> memref<100000x128xf32, #tpu.memory_space<hbm>>
    tpu.enqueue_indirect_dma source(%dma_start3A_292 : memref<100000x128xf32, #tpu.memory_space<hbm>>) target(%arg11 : memref<128x128xf32, #tpu.memory_space<vmem>>) offsets(%dma_start3A_289 : memref<128xi32, #tpu.memory_space<vmem>>) semaphore(%arg16 : memref<!tpu.dma_semaphore, #tpu.memory_space<semaphore_mem>>)
    %dma_wait3A_293 = arith.constant 47 : i32
    %dma_wait3A_294 = arith.constant 0 : i32
    %dma_wait3A_295 = tpu.memref_slice %arg6[%dma_wait3A_293, %dma_wait3A_294] : memref<50x128xi32, #tpu.memory_space<vmem>> -> memref<1x128xi32, #tpu.memory_space<vmem>>
    %dma_wait3A_296 = tpu.memref_squeeze %dma_wait3A_295 : memref<1x128xi32, #tpu.memory_space<vmem>> -> memref<128xi32, #tpu.memory_space<vmem>>
    %dma_wait3A_297 = arith.constant 0 : i32
    %dma_wait3A_298 = arith.constant 0 : i32
    %dma_wait3A_299 = tpu.memref_slice %arg3[%dma_wait3A_297, %dma_wait3A_298] : memref<100000x128xf32, #tpu.memory_space<hbm>> -> memref<100000x128xf32, #tpu.memory_space<hbm>>
    tpu.wait_indirect_dma semaphore(%arg14 : memref<!tpu.dma_semaphore, #tpu.memory_space<semaphore_mem>>) src(%dma_wait3A_299 : memref<100000x128xf32, #tpu.memory_space<hbm>>) dst(%arg9 : memref<128x128xf32, #tpu.memory_space<vmem>>)
    %dma_start3A_300 = arith.constant 47 : i32
    %dma_start3A_301 = arith.constant 0 : i32
    %dma_start3A_302 = tpu.memref_slice %arg4[%dma_start3A_300, %mul3A_2, %dma_start3A_301] : memref<50x4096x128xf32, #tpu.memory_space<hbm>> -> memref<1x128x128xf32, #tpu.memory_space<hbm>>
    %dma_start3A_303 = tpu.memref_squeeze %dma_start3A_302 : memref<1x128x128xf32, #tpu.memory_space<hbm>> -> memref<128x128xf32, #tpu.memory_space<hbm>>
    %dma_start3A_304 = arith.constant 0 : i32
    %dma_start3A_305 = tpu.memref_slice %arg4[%dma_start3A_300, %mul3A_2, %dma_start3A_304] : memref<50x4096x128xf32, #tpu.memory_space<hbm>> -> memref<1x128x128xf32, #tpu.memory_space<hbm>>
    %dma_start3A_306 = tpu.memref_squeeze %dma_start3A_305 : memref<1x128x128xf32, #tpu.memory_space<hbm>> -> memref<128x128xf32, #tpu.memory_space<hbm>>
    tpu.enqueue_dma source(%arg9 : memref<128x128xf32, #tpu.memory_space<vmem>>) target(%dma_start3A_306 : memref<128x128xf32, #tpu.memory_space<hbm>>) target_semaphore(%arg19 : memref<!tpu.dma_semaphore, #tpu.memory_space<semaphore_mem>>)
    %dma_start3A_307 = arith.constant 47 : i32
    %dma_start3A_308 = arith.constant 0 : i32
    %dma_start3A_309 = tpu.memref_slice %arg5[%dma_start3A_307, %mul3A_2, %dma_start3A_308] : memref<50x4096x128xf32, #tpu.memory_space<hbm>> -> memref<1x128x128xf32, #tpu.memory_space<hbm>>
    %dma_start3A_310 = tpu.memref_squeeze %dma_start3A_309 : memref<1x128x128xf32, #tpu.memory_space<hbm>> -> memref<128x128xf32, #tpu.memory_space<hbm>>
    %dma_start3A_311 = arith.constant 0 : i32
    %dma_start3A_312 = tpu.memref_slice %arg5[%dma_start3A_307, %mul3A_2, %dma_start3A_311] : memref<50x4096x128xf32, #tpu.memory_space<hbm>> -> memref<1x128x128xf32, #tpu.memory_space<hbm>>
    %dma_start3A_313 = tpu.memref_squeeze %dma_start3A_312 : memref<1x128x128xf32, #tpu.memory_space<hbm>> -> memref<128x128xf32, #tpu.memory_space<hbm>>
    tpu.enqueue_dma source(%arg9 : memref<128x128xf32, #tpu.memory_space<vmem>>) target(%dma_start3A_313 : memref<128x128xf32, #tpu.memory_space<hbm>>) target_semaphore(%arg19 : memref<!tpu.dma_semaphore, #tpu.memory_space<semaphore_mem>>)
    %dma_wait3A_314 = arith.constant 48 : i32
    %dma_wait3A_315 = arith.constant 0 : i32
    %dma_wait3A_316 = tpu.memref_slice %arg6[%dma_wait3A_314, %dma_wait3A_315] : memref<50x128xi32, #tpu.memory_space<vmem>> -> memref<1x128xi32, #tpu.memory_space<vmem>>
    %dma_wait3A_317 = tpu.memref_squeeze %dma_wait3A_316 : memref<1x128xi32, #tpu.memory_space<vmem>> -> memref<128xi32, #tpu.memory_space<vmem>>
    %dma_wait3A_318 = arith.constant 0 : i32
    %dma_wait3A_319 = arith.constant 0 : i32
    %dma_wait3A_320 = tpu.memref_slice %arg3[%dma_wait3A_318, %dma_wait3A_319] : memref<100000x128xf32, #tpu.memory_space<hbm>> -> memref<100000x128xf32, #tpu.memory_space<hbm>>
    tpu.wait_indirect_dma semaphore(%arg15 : memref<!tpu.dma_semaphore, #tpu.memory_space<semaphore_mem>>) src(%dma_wait3A_320 : memref<100000x128xf32, #tpu.memory_space<hbm>>) dst(%arg10 : memref<128x128xf32, #tpu.memory_space<vmem>>)
    %dma_start3A_321 = arith.constant 48 : i32
    %dma_start3A_322 = arith.constant 0 : i32
    %dma_start3A_323 = tpu.memref_slice %arg4[%dma_start3A_321, %mul3A_2, %dma_start3A_322] : memref<50x4096x128xf32, #tpu.memory_space<hbm>> -> memref<1x128x128xf32, #tpu.memory_space<hbm>>
    %dma_start3A_324 = tpu.memref_squeeze %dma_start3A_323 : memref<1x128x128xf32, #tpu.memory_space<hbm>> -> memref<128x128xf32, #tpu.memory_space<hbm>>
    %dma_start3A_325 = arith.constant 0 : i32
    %dma_start3A_326 = tpu.memref_slice %arg4[%dma_start3A_321, %mul3A_2, %dma_start3A_325] : memref<50x4096x128xf32, #tpu.memory_space<hbm>> -> memref<1x128x128xf32, #tpu.memory_space<hbm>>
    %dma_start3A_327 = tpu.memref_squeeze %dma_start3A_326 : memref<1x128x128xf32, #tpu.memory_space<hbm>> -> memref<128x128xf32, #tpu.memory_space<hbm>>
    tpu.enqueue_dma source(%arg10 : memref<128x128xf32, #tpu.memory_space<vmem>>) target(%dma_start3A_327 : memref<128x128xf32, #tpu.memory_space<hbm>>) target_semaphore(%arg20 : memref<!tpu.dma_semaphore, #tpu.memory_space<semaphore_mem>>)
    %dma_start3A_328 = arith.constant 48 : i32
    %dma_start3A_329 = arith.constant 0 : i32
    %dma_start3A_330 = tpu.memref_slice %arg5[%dma_start3A_328, %mul3A_2, %dma_start3A_329] : memref<50x4096x128xf32, #tpu.memory_space<hbm>> -> memref<1x128x128xf32, #tpu.memory_space<hbm>>
    %dma_start3A_331 = tpu.memref_squeeze %dma_start3A_330 : memref<1x128x128xf32, #tpu.memory_space<hbm>> -> memref<128x128xf32, #tpu.memory_space<hbm>>
    %dma_start3A_332 = arith.constant 0 : i32
    %dma_start3A_333 = tpu.memref_slice %arg5[%dma_start3A_328, %mul3A_2, %dma_start3A_332] : memref<50x4096x128xf32, #tpu.memory_space<hbm>> -> memref<1x128x128xf32, #tpu.memory_space<hbm>>
    %dma_start3A_334 = tpu.memref_squeeze %dma_start3A_333 : memref<1x128x128xf32, #tpu.memory_space<hbm>> -> memref<128x128xf32, #tpu.memory_space<hbm>>
    tpu.enqueue_dma source(%arg10 : memref<128x128xf32, #tpu.memory_space<vmem>>) target(%dma_start3A_334 : memref<128x128xf32, #tpu.memory_space<hbm>>) target_semaphore(%arg20 : memref<!tpu.dma_semaphore, #tpu.memory_space<semaphore_mem>>)
    %dma_wait3A_335 = arith.constant 49 : i32
    %dma_wait3A_336 = arith.constant 0 : i32
    %dma_wait3A_337 = tpu.memref_slice %arg6[%dma_wait3A_335, %dma_wait3A_336] : memref<50x128xi32, #tpu.memory_space<vmem>> -> memref<1x128xi32, #tpu.memory_space<vmem>>
    %dma_wait3A_338 = tpu.memref_squeeze %dma_wait3A_337 : memref<1x128xi32, #tpu.memory_space<vmem>> -> memref<128xi32, #tpu.memory_space<vmem>>
    %dma_wait3A_339 = arith.constant 0 : i32
    %dma_wait3A_340 = arith.constant 0 : i32
    %dma_wait3A_341 = tpu.memref_slice %arg3[%dma_wait3A_339, %dma_wait3A_340] : memref<100000x128xf32, #tpu.memory_space<hbm>> -> memref<100000x128xf32, #tpu.memory_space<hbm>>
    tpu.wait_indirect_dma semaphore(%arg16 : memref<!tpu.dma_semaphore, #tpu.memory_space<semaphore_mem>>) src(%dma_wait3A_341 : memref<100000x128xf32, #tpu.memory_space<hbm>>) dst(%arg11 : memref<128x128xf32, #tpu.memory_space<vmem>>)
    %dma_start3A_342 = arith.constant 49 : i32
    %dma_start3A_343 = arith.constant 0 : i32
    %dma_start3A_344 = tpu.memref_slice %arg4[%dma_start3A_342, %mul3A_2, %dma_start3A_343] : memref<50x4096x128xf32, #tpu.memory_space<hbm>> -> memref<1x128x128xf32, #tpu.memory_space<hbm>>
    %dma_start3A_345 = tpu.memref_squeeze %dma_start3A_344 : memref<1x128x128xf32, #tpu.memory_space<hbm>> -> memref<128x128xf32, #tpu.memory_space<hbm>>
    %dma_start3A_346 = arith.constant 0 : i32
    %dma_start3A_347 = tpu.memref_slice %arg4[%dma_start3A_342, %mul3A_2, %dma_start3A_346] : memref<50x4096x128xf32, #tpu.memory_space<hbm>> -> memref<1x128x128xf32, #tpu.memory_space<hbm>>
    %dma_start3A_348 = tpu.memref_squeeze %dma_start3A_347 : memref<1x128x128xf32, #tpu.memory_space<hbm>> -> memref<128x128xf32, #tpu.memory_space<hbm>>
    tpu.enqueue_dma source(%arg11 : memref<128x128xf32, #tpu.memory_space<vmem>>) target(%dma_start3A_348 : memref<128x128xf32, #tpu.memory_space<hbm>>) target_semaphore(%arg21 : memref<!tpu.dma_semaphore, #tpu.memory_space<semaphore_mem>>)
    %dma_start3A_349 = arith.constant 49 : i32
    %dma_start3A_350 = arith.constant 0 : i32
    %dma_start3A_351 = tpu.memref_slice %arg5[%dma_start3A_349, %mul3A_2, %dma_start3A_350] : memref<50x4096x128xf32, #tpu.memory_space<hbm>> -> memref<1x128x128xf32, #tpu.memory_space<hbm>>
    %dma_start3A_352 = tpu.memref_squeeze %dma_start3A_351 : memref<1x128x128xf32, #tpu.memory_space<hbm>> -> memref<128x128xf32, #tpu.memory_space<hbm>>
    %dma_start3A_353 = arith.constant 0 : i32
    %dma_start3A_354 = tpu.memref_slice %arg5[%dma_start3A_349, %mul3A_2, %dma_start3A_353] : memref<50x4096x128xf32, #tpu.memory_space<hbm>> -> memref<1x128x128xf32, #tpu.memory_space<hbm>>
    %dma_start3A_355 = tpu.memref_squeeze %dma_start3A_354 : memref<1x128x128xf32, #tpu.memory_space<hbm>> -> memref<128x128xf32, #tpu.memory_space<hbm>>
    tpu.enqueue_dma source(%arg11 : memref<128x128xf32, #tpu.memory_space<vmem>>) target(%dma_start3A_355 : memref<128x128xf32, #tpu.memory_space<hbm>>) target_semaphore(%arg21 : memref<!tpu.dma_semaphore, #tpu.memory_space<semaphore_mem>>)
    %dma_wait3A_356 = arith.constant 0 : i32
    %dma_wait3A_357 = arith.constant 0 : i32
    %dma_wait3A_358 = tpu.memref_slice %arg4[%dma_wait3A_356, %mul3A_2, %dma_wait3A_357] : memref<50x4096x128xf32, #tpu.memory_space<hbm>> -> memref<1x128x128xf32, #tpu.memory_space<hbm>>
    %dma_wait3A_359 = tpu.memref_squeeze %dma_wait3A_358 : memref<1x128x128xf32, #tpu.memory_space<hbm>> -> memref<128x128xf32, #tpu.memory_space<hbm>>
    %dma_wait3A_360 = arith.constant 0 : i32
    %dma_wait3A_361 = tpu.memref_slice %arg4[%dma_wait3A_356, %mul3A_2, %dma_wait3A_360] : memref<50x4096x128xf32, #tpu.memory_space<hbm>> -> memref<1x128x128xf32, #tpu.memory_space<hbm>>
    %dma_wait3A_362 = tpu.memref_squeeze %dma_wait3A_361 : memref<1x128x128xf32, #tpu.memory_space<hbm>> -> memref<128x128xf32, #tpu.memory_space<hbm>>
    tpu.wait_dma2 semaphore(%arg17 : memref<!tpu.dma_semaphore, #tpu.memory_space<semaphore_mem>>) src(%arg7 : memref<128x128xf32, #tpu.memory_space<vmem>>) dst(%dma_wait3A_362 : memref<128x128xf32, #tpu.memory_space<hbm>>)
    %dma_wait3A_363 = arith.constant 0 : i32
    %dma_wait3A_364 = arith.constant 0 : i32
    %dma_wait3A_365 = tpu.memref_slice %arg5[%dma_wait3A_363, %mul3A_2, %dma_wait3A_364] : memref<50x4096x128xf32, #tpu.memory_space<hbm>> -> memref<1x128x128xf32, #tpu.memory_space<hbm>>
    %dma_wait3A_366 = tpu.memref_squeeze %dma_wait3A_365 : memref<1x128x128xf32, #tpu.memory_space<hbm>> -> memref<128x128xf32, #tpu.memory_space<hbm>>
    %dma_wait3A_367 = arith.constant 0 : i32
    %dma_wait3A_368 = tpu.memref_slice %arg5[%dma_wait3A_363, %mul3A_2, %dma_wait3A_367] : memref<50x4096x128xf32, #tpu.memory_space<hbm>> -> memref<1x128x128xf32, #tpu.memory_space<hbm>>
    %dma_wait3A_369 = tpu.memref_squeeze %dma_wait3A_368 : memref<1x128x128xf32, #tpu.memory_space<hbm>> -> memref<128x128xf32, #tpu.memory_space<hbm>>
    tpu.wait_dma2 semaphore(%arg17 : memref<!tpu.dma_semaphore, #tpu.memory_space<semaphore_mem>>) src(%arg7 : memref<128x128xf32, #tpu.memory_space<vmem>>) dst(%dma_wait3A_369 : memref<128x128xf32, #tpu.memory_space<hbm>>)
    %dma_wait3A_370 = arith.constant 0 : i32
    %dma_wait3A_371 = arith.constant 0 : i32
    %dma_wait3A_372 = tpu.memref_slice %arg4[%dma_wait3A_370, %mul3A_2, %dma_wait3A_371] : memref<50x4096x128xf32, #tpu.memory_space<hbm>> -> memref<1x128x128xf32, #tpu.memory_space<hbm>>
    %dma_wait3A_373 = tpu.memref_squeeze %dma_wait3A_372 : memref<1x128x128xf32, #tpu.memory_space<hbm>> -> memref<128x128xf32, #tpu.memory_space<hbm>>
    %dma_wait3A_374 = arith.constant 0 : i32
    %dma_wait3A_375 = tpu.memref_slice %arg4[%dma_wait3A_370, %mul3A_2, %dma_wait3A_374] : memref<50x4096x128xf32, #tpu.memory_space<hbm>> -> memref<1x128x128xf32, #tpu.memory_space<hbm>>
    %dma_wait3A_376 = tpu.memref_squeeze %dma_wait3A_375 : memref<1x128x128xf32, #tpu.memory_space<hbm>> -> memref<128x128xf32, #tpu.memory_space<hbm>>
    tpu.wait_dma2 semaphore(%arg18 : memref<!tpu.dma_semaphore, #tpu.memory_space<semaphore_mem>>) src(%arg8 : memref<128x128xf32, #tpu.memory_space<vmem>>) dst(%dma_wait3A_376 : memref<128x128xf32, #tpu.memory_space<hbm>>)
    %dma_wait3A_377 = arith.constant 0 : i32
    %dma_wait3A_378 = arith.constant 0 : i32
    %dma_wait3A_379 = tpu.memref_slice %arg5[%dma_wait3A_377, %mul3A_2, %dma_wait3A_378] : memref<50x4096x128xf32, #tpu.memory_space<hbm>> -> memref<1x128x128xf32, #tpu.memory_space<hbm>>
    %dma_wait3A_380 = tpu.memref_squeeze %dma_wait3A_379 : memref<1x128x128xf32, #tpu.memory_space<hbm>> -> memref<128x128xf32, #tpu.memory_space<hbm>>
    %dma_wait3A_381 = arith.constant 0 : i32
    %dma_wait3A_382 = tpu.memref_slice %arg5[%dma_wait3A_377, %mul3A_2, %dma_wait3A_381] : memref<50x4096x128xf32, #tpu.memory_space<hbm>> -> memref<1x128x128xf32, #tpu.memory_space<hbm>>
    %dma_wait3A_383 = tpu.memref_squeeze %dma_wait3A_382 : memref<1x128x128xf32, #tpu.memory_space<hbm>> -> memref<128x128xf32, #tpu.memory_space<hbm>>
    tpu.wait_dma2 semaphore(%arg18 : memref<!tpu.dma_semaphore, #tpu.memory_space<semaphore_mem>>) src(%arg8 : memref<128x128xf32, #tpu.memory_space<vmem>>) dst(%dma_wait3A_383 : memref<128x128xf32, #tpu.memory_space<hbm>>)
    %dma_wait3A_384 = arith.constant 0 : i32
    %dma_wait3A_385 = arith.constant 0 : i32
    %dma_wait3A_386 = tpu.memref_slice %arg4[%dma_wait3A_384, %mul3A_2, %dma_wait3A_385] : memref<50x4096x128xf32, #tpu.memory_space<hbm>> -> memref<1x128x128xf32, #tpu.memory_space<hbm>>
    %dma_wait3A_387 = tpu.memref_squeeze %dma_wait3A_386 : memref<1x128x128xf32, #tpu.memory_space<hbm>> -> memref<128x128xf32, #tpu.memory_space<hbm>>
    %dma_wait3A_388 = arith.constant 0 : i32
    %dma_wait3A_389 = tpu.memref_slice %arg4[%dma_wait3A_384, %mul3A_2, %dma_wait3A_388] : memref<50x4096x128xf32, #tpu.memory_space<hbm>> -> memref<1x128x128xf32, #tpu.memory_space<hbm>>
    %dma_wait3A_390 = tpu.memref_squeeze %dma_wait3A_389 : memref<1x128x128xf32, #tpu.memory_space<hbm>> -> memref<128x128xf32, #tpu.memory_space<hbm>>
    tpu.wait_dma2 semaphore(%arg19 : memref<!tpu.dma_semaphore, #tpu.memory_space<semaphore_mem>>) src(%arg9 : memref<128x128xf32, #tpu.memory_space<vmem>>) dst(%dma_wait3A_390 : memref<128x128xf32, #tpu.memory_space<hbm>>)
    %dma_wait3A_391 = arith.constant 0 : i32
    %dma_wait3A_392 = arith.constant 0 : i32
    %dma_wait3A_393 = tpu.memref_slice %arg5[%dma_wait3A_391, %mul3A_2, %dma_wait3A_392] : memref<50x4096x128xf32, #tpu.memory_space<hbm>> -> memref<1x128x128xf32, #tpu.memory_space<hbm>>
    %dma_wait3A_394 = tpu.memref_squeeze %dma_wait3A_393 : memref<1x128x128xf32, #tpu.memory_space<hbm>> -> memref<128x128xf32, #tpu.memory_space<hbm>>
    %dma_wait3A_395 = arith.constant 0 : i32
    %dma_wait3A_396 = tpu.memref_slice %arg5[%dma_wait3A_391, %mul3A_2, %dma_wait3A_395] : memref<50x4096x128xf32, #tpu.memory_space<hbm>> -> memref<1x128x128xf32, #tpu.memory_space<hbm>>
    %dma_wait3A_397 = tpu.memref_squeeze %dma_wait3A_396 : memref<1x128x128xf32, #tpu.memory_space<hbm>> -> memref<128x128xf32, #tpu.memory_space<hbm>>
    tpu.wait_dma2 semaphore(%arg19 : memref<!tpu.dma_semaphore, #tpu.memory_space<semaphore_mem>>) src(%arg9 : memref<128x128xf32, #tpu.memory_space<vmem>>) dst(%dma_wait3A_397 : memref<128x128xf32, #tpu.memory_space<hbm>>)
    %dma_wait3A_398 = arith.constant 0 : i32
    %dma_wait3A_399 = arith.constant 0 : i32
    %dma_wait3A_400 = tpu.memref_slice %arg4[%dma_wait3A_398, %mul3A_2, %dma_wait3A_399] : memref<50x4096x128xf32, #tpu.memory_space<hbm>> -> memref<1x128x128xf32, #tpu.memory_space<hbm>>
    %dma_wait3A_401 = tpu.memref_squeeze %dma_wait3A_400 : memref<1x128x128xf32, #tpu.memory_space<hbm>> -> memref<128x128xf32, #tpu.memory_space<hbm>>
    %dma_wait3A_402 = arith.constant 0 : i32
    %dma_wait3A_403 = tpu.memref_slice %arg4[%dma_wait3A_398, %mul3A_2, %dma_wait3A_402] : memref<50x4096x128xf32, #tpu.memory_space<hbm>> -> memref<1x128x128xf32, #tpu.memory_space<hbm>>
    %dma_wait3A_404 = tpu.memref_squeeze %dma_wait3A_403 : memref<1x128x128xf32, #tpu.memory_space<hbm>> -> memref<128x128xf32, #tpu.memory_space<hbm>>
    tpu.wait_dma2 semaphore(%arg20 : memref<!tpu.dma_semaphore, #tpu.memory_space<semaphore_mem>>) src(%arg10 : memref<128x128xf32, #tpu.memory_space<vmem>>) dst(%dma_wait3A_404 : memref<128x128xf32, #tpu.memory_space<hbm>>)
    %dma_wait3A_405 = arith.constant 0 : i32
    %dma_wait3A_406 = arith.constant 0 : i32
    %dma_wait3A_407 = tpu.memref_slice %arg5[%dma_wait3A_405, %mul3A_2, %dma_wait3A_406] : memref<50x4096x128xf32, #tpu.memory_space<hbm>> -> memref<1x128x128xf32, #tpu.memory_space<hbm>>
    %dma_wait3A_408 = tpu.memref_squeeze %dma_wait3A_407 : memref<1x128x128xf32, #tpu.memory_space<hbm>> -> memref<128x128xf32, #tpu.memory_space<hbm>>
    %dma_wait3A_409 = arith.constant 0 : i32
    %dma_wait3A_410 = tpu.memref_slice %arg5[%dma_wait3A_405, %mul3A_2, %dma_wait3A_409] : memref<50x4096x128xf32, #tpu.memory_space<hbm>> -> memref<1x128x128xf32, #tpu.memory_space<hbm>>
    %dma_wait3A_411 = tpu.memref_squeeze %dma_wait3A_410 : memref<1x128x128xf32, #tpu.memory_space<hbm>> -> memref<128x128xf32, #tpu.memory_space<hbm>>
    tpu.wait_dma2 semaphore(%arg20 : memref<!tpu.dma_semaphore, #tpu.memory_space<semaphore_mem>>) src(%arg10 : memref<128x128xf32, #tpu.memory_space<vmem>>) dst(%dma_wait3A_411 : memref<128x128xf32, #tpu.memory_space<hbm>>)
    %dma_wait3A_412 = arith.constant 0 : i32
    %dma_wait3A_413 = arith.constant 0 : i32
    %dma_wait3A_414 = tpu.memref_slice %arg4[%dma_wait3A_412, %mul3A_2, %dma_wait3A_413] : memref<50x4096x128xf32, #tpu.memory_space<hbm>> -> memref<1x128x128xf32, #tpu.memory_space<hbm>>
    %dma_wait3A_415 = tpu.memref_squeeze %dma_wait3A_414 : memref<1x128x128xf32, #tpu.memory_space<hbm>> -> memref<128x128xf32, #tpu.memory_space<hbm>>
    %dma_wait3A_416 = arith.constant 0 : i32
    %dma_wait3A_417 = tpu.memref_slice %arg4[%dma_wait3A_412, %mul3A_2, %dma_wait3A_416] : memref<50x4096x128xf32, #tpu.memory_space<hbm>> -> memref<1x128x128xf32, #tpu.memory_space<hbm>>
    %dma_wait3A_418 = tpu.memref_squeeze %dma_wait3A_417 : memref<1x128x128xf32, #tpu.memory_space<hbm>> -> memref<128x128xf32, #tpu.memory_space<hbm>>
    tpu.wait_dma2 semaphore(%arg21 : memref<!tpu.dma_semaphore, #tpu.memory_space<semaphore_mem>>) src(%arg11 : memref<128x128xf32, #tpu.memory_space<vmem>>) dst(%dma_wait3A_418 : memref<128x128xf32, #tpu.memory_space<hbm>>)
    %dma_wait3A_419 = arith.constant 0 : i32
    %dma_wait3A_420 = arith.constant 0 : i32
    %dma_wait3A_421 = tpu.memref_slice %arg5[%dma_wait3A_419, %mul3A_2, %dma_wait3A_420] : memref<50x4096x128xf32, #tpu.memory_space<hbm>> -> memref<1x128x128xf32, #tpu.memory_space<hbm>>
    %dma_wait3A_422 = tpu.memref_squeeze %dma_wait3A_421 : memref<1x128x128xf32, #tpu.memory_space<hbm>> -> memref<128x128xf32, #tpu.memory_space<hbm>>
    %dma_wait3A_423 = arith.constant 0 : i32
    %dma_wait3A_424 = tpu.memref_slice %arg5[%dma_wait3A_419, %mul3A_2, %dma_wait3A_423] : memref<50x4096x128xf32, #tpu.memory_space<hbm>> -> memref<1x128x128xf32, #tpu.memory_space<hbm>>
    %dma_wait3A_425 = tpu.memref_squeeze %dma_wait3A_424 : memref<1x128x128xf32, #tpu.memory_space<hbm>> -> memref<128x128xf32, #tpu.memory_space<hbm>>
    tpu.wait_dma2 semaphore(%arg21 : memref<!tpu.dma_semaphore, #tpu.memory_space<semaphore_mem>>) src(%arg11 : memref<128x128xf32, #tpu.memory_space<vmem>>) dst(%dma_wait3A_425 : memref<128x128xf32, #tpu.memory_space<hbm>>)
    return
  }
}

</mosaic_0001>

<sc_bundles>
// kernel: kernel.3.cloned.1.call-start
scs
__scs_entry_jumppad:
0x0: {  	(pc) =	sbr.rel $0x88, $3  }
0x1: {  	(tag) =	ssettag $0x0;
	lr =	simm.s32 $0x1  }
0x2: {  	[smem:$0x3F9F] =	sst lr;
	_ =	strace $0xD0000000  }
0x3: {  	_ = 	snop  }
0x4: {  	_ = 	snop  }
0x5: {  	_ = 	snop  }
0x6: {  	_ = 	snop  }
0x7: {  	_ = 	snop  }
__scs_overlays_trampoline_lowered:
0x8: {  	[smem:$0x3FAE] =	sst s0  }
0x9: {  	[smem:$0x3FAF] =	sst s1  }
0xa: {  	[smem:$0x3FB0] =	sst s2  }
0xb: {  	[smem:$0x3FB1] =	sst s3  }
0xc: {  	[smem:$0x3FB2] =	sst s4  }
0xd: {  	[smem:$0x3FB3] =	sst s5  }
0xe: {  	[smem:$0x3FB4] =	sst s6  }
0xf: {  	[smem:$0x3FB5] =	sst s7  }
0x10: {  	[smem:$0x3FB6] =	sst s8  }
0x11: {  	[smem:$0x3FB7] =	sst s9;
	s0 =	simm.s32 @!p0 $0x0  }
0x12: {  	s1 =	sld [smem:$0x3F9D];
	s0 =	simm.s32 @p0 $0x1  }
0x13: {  	[smem:$0x3FB8] =	sst s0;
	s0 =	simm.s32 @!p1 $0x0  }
0x14: {  	s2 =	sld [smem:$0x3F9C];
	s0 =	simm.s32 @p1 $0x1  }
0x15: {  	[smem:$0x3FB9] =	sst s0;
	s0 =	simm.s32 @!p2 $0x0  }
0x16: {  	s3 =	sld [smem:$0x3FDB];
	s0 =	simm.s32 @p2 $0x1  }
0x17: {  	s4 =	simm.s32 $0x1BF5;
	[smem:$0x3FBB] =	sst s0  }
0x18: {  	s0 =	sld [smem:$0x3F9E];
	_ =	swait.ge [sflag:s4], $0x0  }
0x19: {  	s7 =	sld [smem:$0x3F9F]  }
0x1a: {  	s8 =	sadd.s32 $0xFFFFE003, lr  }
0x1b: {  	s9 =	sadd.s32 $0xFFFFFEF7, lr;
	s5 =	simm.s32 $0xFFFFFFFF;
	p2 =	slt.u32 s8, $0xFFFFF086  }
0x1c: {  	p1 =	slt.u32 s9, $0xF7A;
	s5 =	simm.s32 @!p2 $0x0  }
0x1d: {  	s5 =	simm.s32 @p1 $0x1;
	p0 =	seq.s32 s7, s2  }
0x1e: {  	s7 =	smul.u32 @!p0 $0xF7A, s2;
	p2 =	seq.s32 @!p0 s5, $0x0  }
0x1f: {  	s9 =	smul.u32 $0xF7A, s1;
	s8 =	simm.s32 @!p0 $0x1BF5;
	p2 =	por !p2, p0  }
0x20: {  	[sflag:s8] =	ssyncset.s32 @!p0 $0xFFFFF086;
	s6 =	sadd.s32 @!p0 s3, s7;
	s7 =	simm.s32 @!p0 $0x108  }
0x21: {  	s3 =	sadd.s32 s3, s9;
	s6 =	sadd.s32 @!p0 $0x88, s6;
	s7 =	simm.s32 @p2 $0x1082  }
0x22: {  	[simem:s7], [sflag:s8] =	dma.local @!p0 [hbm:s6], $0xF7A  }
0x23: {  	s9 =	sor.u32 $0xD0000000, s2;
	s6 =	simm.s32 $0x108;
	_ =	swait.ge @!p0 [sflag:s8], $0x0  }
0x24: {  	s3 =	sadd.s32 $0x88, s3;
	s6 =	simm.s32 @!p1 $0x1082;
	[sflag:s4] =	ssyncset.s32 $0xFFFFF086  }
0x25: {  	[simem:s6], [sflag:s4] =	dma.local [hbm:s3], $0xF7A  }
0x26: {  	[smem:$0x3F9F] =	sst s1;
	(tag) =	ssettag s2;
	_ =	strace s9  }
0x27: {  	s1 =	sld [smem:$0x3FAF]  }
0x28: {  	s2 =	sld [smem:$0x3FB0]  }
0x29: {  	s4 =	sld [smem:$0x3FB2]  }
0x2a: {  	p0 =	seq.s32 s5, $0x0;
	s5 =	sld [smem:$0x3FB3]  }
0x2b: {  	s6 =	sld [smem:$0x3FB4]  }
0x2c: {  	s7 =	sld [smem:$0x3FB5]  }
0x2d: {  	s3 =	simm.s32 $0x108;
	s8 =	sld [smem:$0x3FB6]  }
0x2e: {  	s3 =	simm.s32 @!p0 $0x1082;
	s9 =	sld [smem:$0x3FB7]  }
0x2f: {  	lr =	sadd.s32 s0, s3;
	s0 =	sld [smem:$0x3FAE]  }
0x30: {  	s3 =	sld [smem:$0x3FB1]  }
0x31: {  	[smem:$0x3FBA] =	sst s10  }
0x32: {  	s10 =	sld [smem:$0x3FB8];
	_ =	sdelay $0x3  }
0x33: {  	p0 =	seq.s32 s10, $0x1;
	s10 =	sld [smem:$0x3FBA];
	_ =	sdelay $0x3  }
0x34: {  	[smem:$0x3FBA] =	sst s10  }
0x35: {  	s10 =	sld [smem:$0x3FB9];
	_ =	sdelay $0x3  }
0x36: {  	p1 =	seq.s32 s10, $0x1;
	s10 =	sld [smem:$0x3FBA];
	_ =	sdelay $0x3  }
0x37: {  	[smem:$0x3FBA] =	sst s10  }
0x38: {  	s10 =	sld [smem:$0x3FBB]  }
0x39: {  	_ = 	snop;
	(pc) =	sbr.ind lr, $3  }
0x3a: {  	_ = 	snop  }
0x3b: {  	_ = 	snop  }
0x3c: {  	p2 =	seq.s32 s10, $0x1;
	s10 =	sld [smem:$0x3FBA]  }
0x3d: {  	_ =	shalt  }
0x3e: {  	_ =	shalt  }
0x3f: {  	_ =	shalt  }
0x40: {  	_ =	shalt  }
0x41: {  	_ =	shalt  }
0x42: {  	_ =	shalt  }
0x43: {  	_ =	shalt  }
0x44: {  	_ =	shalt  }
0x45: {  	_ =	shalt  }
0x46: {  	_ =	shalt  }
0x47: {  	_ =	shalt  }
0x48: {  	_ =	shalt  }
0x49: {  	_ =	shalt  }
0x4a: {  	_ =	shalt  }
0x4b: {  	_ =	shalt  }
0x4c: {  	_ =	shalt  }
0x4d: {  	_ =	shalt  }
0x4e: {  	_ =	shalt  }
0x4f: {  	_ =	shalt  }
0x50: {  	_ =	shalt  }
0x51: {  	_ =	shalt  }
0x52: {  	_ =	shalt  }
0x53: {  	_ =	shalt  }
0x54: {  	_ =	shalt  }
0x55: {  	_ =	shalt  }
0x56: {  	_ =	shalt  }
0x57: {  	_ =	shalt  }
0x58: {  	_ =	shalt  }
0x59: {  	_ =	shalt  }
0x5a: {  	_ =	shalt  }
0x5b: {  	_ =	shalt  }
0x5c: {  	_ =	shalt  }
0x5d: {  	_ =	shalt  }
0x5e: {  	_ =	shalt  }
0x5f: {  	_ =	shalt  }
0x60: {  	_ =	shalt  }
0x61: {  	_ =	shalt  }
0x62: {  	_ =	shalt  }
0x63: {  	_ =	shalt  }
0x64: {  	_ =	shalt  }
0x65: {  	_ =	shalt  }
0x66: {  	_ =	shalt  }
0x67: {  	_ =	shalt  }
0x68: {  	_ =	shalt  }
0x69: {  	_ =	shalt  }
0x6a: {  	_ =	shalt  }
0x6b: {  	_ =	shalt  }
0x6c: {  	_ =	shalt  }
0x6d: {  	_ =	shalt  }
0x6e: {  	_ =	shalt  }
0x6f: {  	_ =	shalt  }
0x70: {  	_ =	shalt  }
0x71: {  	_ =	shalt  }
0x72: {  	_ =	shalt  }
0x73: {  	_ =	shalt  }
0x74: {  	_ =	shalt  }
0x75: {  	_ =	shalt  }
0x76: {  	_ =	shalt  }
0x77: {  	_ =	shalt  }
0x78: {  	_ =	shalt  }
0x79: {  	_ =	shalt  }
0x7a: {  	_ =	shalt  }
0x7b: {  	_ =	shalt  }
0x7c: {  	_ =	shalt  }
0x7d: {  	_ =	shalt  }
0x7e: {  	_ =	shalt  }
0x7f: {  	_ =	shalt  }
0x80: {  	_ =	shalt  }
0x81: {  	_ =	shalt  }
0x82: {  	_ =	shalt  }
0x83: {  	_ =	shalt  }
0x84: {  	_ =	shalt  }
0x85: {  	_ =	shalt  }
0x86: {  	_ =	shalt  }
0x87: {  	_ =	shalt  }
.Lfunc_end0:
.L_simem_size_0:
called_computation_lowered:
.L_overlay_start_0:
0x88: {  	s2 =	sld [smem:$0x3FD9]  }
0x89: {  	s3 =	sld [smem:$0x3FFE];
	_ =	sdelay $0x1  }
0x8a: {  	s1 =	srdreg.scid  }
0x8b: {  	s0 =	sand.u32 $0x1, s1  }
0x8c: {  	s15 =	sshll.u32 s0, $0xA;
	s2 =	sadd.s32 s3, s2  }
0x8d: {  	s2 =	sadd.s32 s2, s15  }
0x8e: {  	[smem:$0x3FC6] =	sst s2  }
0x8f: {  	_ = 	snop  }
0x90: {  	s2 =	sld [smem:$0x3FD0];
	_ =	sdelay $0x1  }
0x91: {  	s16 =	sld [smem:$0x3FC9]  }
0x92: {  	s5 =	simm.s32 $0xA;
	s6 =	simm.s32 $0x10;
	s4 =	sld [smem:$0x3FC8]  }
0x93: {  	[smem:s6], [sflag:s5] =	dma.local [hbm:s2], $0x1  }
0x94: {  	_ =	swait.eq [sflag:s5], $0x1  }
0x95: {  	[sflag:s5] =	ssyncset.done $0x0  }
0x96: {  	s17 =	sld [smem:$0x10];
	[sflag:s5] =	ssyncadd.s32 $0xFFFFFFFF  }
0x97: {  	s18 =	sld [smem:$0x11];
	(tm) =	ssettm $0x1  }
0x98: {  	s19 =	sld [smem:$0x3FFB];
	_ =	sdelay $0x3  }
0x99: {  	_ =	strace s19  }
0x9a: {  	s6 =	sld [smem:$0x3FFC];
	_ =	sdelay $0x3  }
0x9b: {  	_ =	strace s6  }
0x9c: {  	s6 =	sld [smem:$0x3FFD];
	_ =	sdelay $0x3  }
0x9d: {  	_ =	strace s6  }
0x9e: {  	_ =	strace $0x8FFFFFFF  }
0x9f: {  	s20 =	sld [smem:$0x3FDB];
	_ =	sdelay $0x1  }
0xa0: {  	s7 =	simm.s32 $_scs_section_size  }
0xa1: {  	s8 =	simm.s32 $_size__tile_overlayer_lowered;
	s9 =	simm.s32 $_tile_overlayer_lowered  }
0xa2: {  	s23 =	simm.s32 $0x1BFF;
	s22 =	sshll.u32 s9, $0x1;
	s6 =	sadd.s32 s7, s20  }
0xa3: {  	s10 =	simm.s32 $0x0;
	s21 =	sshll.u32 s8, $0x1;
	s8 =	sadd.s32 s22, s6  }
0xa4: {  	[timem:s10], [sflag:s23] =	dma.local [hbm:s8], s21  }
0xa5: {  	_ =	swait.ge [sflag:s23], s21  }
0xa6: {  	s7 =	ssub.s32 $0x0, s21;
	[sflag:s23] =	ssyncset.done $0x0  }
0xa7: {  	[sflag:s23] =	ssyncadd.s32 s7;
	_ =	sdelay $0x1  }
0xa8: {  	s24 =	simm.s32 $0x1B8B  }
0xa9: {  	_ =	swait.ge [sflag:s24], $0x1  }
0xaa: {  	[sflag:s24] =	ssyncset.done $0x0  }
0xab: {  	s25 =	simm.s32 $0x1B8E;
	[sflag:s24] =	ssyncadd.s32 $0xFFFFFFFF  }
0xac: {  	s26 =	simm.s32 $execute0_lowered;
	[smem:$0x3FD2] =	sst s25  }
0xad: {  	s7 =	sshll.u32 s26, $0x1;
	_ =	strace $0x80000046;
	[dreg:$0x1] =	wrdreg $0xFFFFFFFF  }
0xae: {  	s28 =	simm.s32 $_size_execute0_lowered;
	s6 =	sadd.s32 s6, s7;
	[dreg:$0x0] =	wrdreg $0x0  }
0xaf: {  	s7 =	sshll.u32 s28, $0x1;
	[dreg:$0x2] =	wrdreg s6  }
0xb0: {  	[dreg:$0x3] =	wrdreg s7  }
0xb1: {  	[dreg:$0x4] =	wrdreg $0xC0  }
0xb2: {  	_ =	task [dreg:s10], $0x5FFFF  }
0xb3: {  	[dreg:$0x1] =	wrdreg $0xFFFFFFFF  }
0xb4: {  	[dreg:$0x0] =	wrdreg $0x60  }
0xb5: {  	[dreg:$0x2] =	wrdreg s16  }
0xb6: {  	[dreg:$0x3] =	wrdreg s4  }
0xb7: {  	[dreg:$0x4] =	wrdreg s17  }
0xb8: {  	[dreg:$0x5] =	wrdreg s18  }
0xb9: {  	[dreg:$0x6] =	wrdreg $0x9  }
0xba: {  	_ =	task.clear_ibuf [dreg:s10], $0x7FFFF;
	_ =	strace $0x90000046  }
0xbb: {  	s29 =	simm.s32 $0x9;
	_ =	strace $0x80000048  }
0xbc: {  	_ =	swait.ge [sflag:s29], $0x1  }
0xbd: {  	[sflag:s29] =	ssyncadd.s32 $0xFFFFFFFF  }
0xbe: {  	_ =	strace $0x90000048  }
0xbf: {  	_ =	sfence  }
0xc0: {  	s30 =	sld [smem:$0x0];
	_ =	sdelay $0x2  }
0xc1: {  	s31 =	sshll.u32 s1, $0xD;
	s1 =	sshrl.u32 s1, $0x2  }
0xc2: {  	s3 =	sand.u32 $0x4000, s31;
	s1 =	sadd.s32 s1, s30  }
0xc3: {  	s0 =	sor.u32 s3, s0;
	s1 =	sshll.u32 s1, $0x11  }
0xc4: {  	s0 =	sor.u32 s1, s0  }
0xc5: {  	s0 =	sadd.s32 $0x8F2B, s0  }
0xc6: {  	[sflag:s0] =	ssyncadd.remote.s32 $0x1  }
0xc7: {  	_ =	sfence.sel $0xFFFF  }
0xc8: {  	[dreg:$0x0] =	wrdreg $0xFFFFFFFF;
	(pc) =	sbr.abs _section_cstart, $3  }
0xc9: {  	[dreg:$0x1] =	wrdreg $0xFFFFFFFF  }
0xca: {  	_ =	task.clear_ibuf [dreg:s10], $0x2FFFF;
	_ =	strace $0x9FFFFFFF  }
0xcb: {  	(tm) =	ssettm $0x7FFFFFFF  }
tec
execute0_lowered:
.L_overlay_start_1:
0x0: {  	(tag) =	ssettag $0x1  }
0x1: {  	s0 =	rddreg [dreg:$0x0]  }
0x2: {  	s2 =	rddreg [dreg:$0x1]  }
0x3: {  	s3 =	rddreg [dreg:$0x2];
	s1 =	srdreg.scid  }
0x4: {  	s4 =	rddreg [dreg:$0x3];
	s10 =	stileid.u32;
	s5 =	simm.s32 $0x0  }
0x5: {  	s31 =	simm.s32 $0xB;
	s1 =	sand.u32 $0x1, s1;
	s6 =	sshll.u32 s10, $0x8  }
0x6: {  	[smem:$0x7FF] =	sst s5;
	s14 =	sshll.u32 s10, $0xF;
	s10 =	simm.s32 $0x1  }
0x7: {  	s7 =	sshll.u32 s1, $0x7;
	s8 =	ssub.s32 $0x2, s1;
	_ =	strace $0x80000047  }
0x8: {  	s1 =	sshll.u32 s1, $0xE;
	s6 =	sor.u32 s7, s6;
	s20 =	sshrl.u32 s8, $0x1  }
0x9: {  	s1 =	sor.u32 s1, s14;
	s9 =	sshll.u32 s6, $0x4;
	s7 =	ssub.s32 s8, s20  }
0xa: {  	s11 =	sadd.s32 s0, s6;
	s18 =	sor.u32 $0x300000, s1;
	s21 =	sor.u32 $0x10000, s9  }
0xb: {  	s29 =	sor.u32 $0x280000, s1;
	s23 =	sor.u32 $0x20000, s9;
	s22 =	sadd.s32 s3, s21  }
0xc: {  	s26 =	sor.u32 $0x30000, s9;
	s24 =	sadd.s32 s4, s21;
	[dreg:$0xd] =	wrdreg s22  }
0xd: {  	s13 =	sor.u32 $0x40000, s9;
	s25 =	sadd.s32 s3, s23;
	[dreg:$0xe] =	wrdreg s24  }
0xe: {  	s16 =	sor.u32 $0x2D0000, s9;
	s0 =	sadd.s32 s4, s23;
	[dreg:$0xf] =	wrdreg s25  }
0xf: {  	s20 =	sor.u32 $0x2E0000, s9;
	s8 =	sadd.s32 s3, s26;
	[dreg:$0x10] =	wrdreg s0  }
0x10: {  	s28 =	smov.u32 s11;
	s12 =	sadd.s32 s4, s26;
	[dreg:$0x11] =	wrdreg s8  }
0x11: {  	s30 =	sadd.s32 $0x6000, s11;
	s15 =	sadd.s32 s3, s13;
	[dreg:$0x12] =	wrdreg s12  }
0x12: {  	s11 =	simm.s32 $0xDC00;
	s17 =	sadd.s32 s3, s16;
	[dreg:$0x13] =	wrdreg s15  }
0x13: {  	s19 =	sadd.s32 s4, s16;
	s21 =	sadd.s32 s3, s20;
	[dreg:$0x15] =	wrdreg s17  }
0x14: {  	s23 =	sor.u32 $0x480000, s1;
	s26 =	sor.u32 $0x400000, s1;
	[dreg:$0x16] =	wrdreg s19  }
0x15: {  	s6 =	sadd.s32 s4, s20;
	s16 =	sor.u32 $0x380000, s1;
	[dreg:$0x17] =	wrdreg s21  }
0x16: {  	s0 =	sadd.s32 s4, s13;
	s24 =	sshrl.u32 s23, $0x3;
	[dreg:$0x18] =	wrdreg s6  }
0x17: {  	s13 =	sshrl.u32 s26, $0x3;
	s23 =	sadd.s32 s4, s9;
	[dreg:$0x14] =	wrdreg s0  }
0x18: {  	s15 =	sor.u32 $0x2F0000, s9;
	s26 =	smax.u32 s7, $0x1;
	[dreg:$0x1e] =	wrdreg s23  }
0x19: {  	s19 =	sor.u32 $0x300000, s9;
	s25 =	sadd.s32 s24, s4;
	[smem:$0x7FD] =	sst s26  }
0x1a: {  	s7 =	simm.s32 $0x1C00;
	s12 =	sadd.s32 s24, s3;
	[dreg:$0x7] =	wrdreg s25  }
0x1b: {  	s0 =	sshrl.u32 s18, $0x3;
	s14 =	sadd.s32 s13, s4;
	[dreg:$0x8] =	wrdreg s12  }
0x1c: {  	s17 =	sadd.s32 s3, s15;
	s8 =	sadd.s32 s13, s3;
	[dreg:$0x9] =	wrdreg s14  }
0x1d: {  	s6 =	sadd.s32 s4, s15;
	s20 =	sadd.s32 s3, s19;
	[dreg:$0x19] =	wrdreg s17  }
0x1e: {  	s21 =	sadd.s32 s4, s19;
	s24 =	sor.u32 $0x310000, s9;
	[dreg:$0x1a] =	wrdreg s6  }
0x1f: {  	s23 =	simm.s32 $0x1800;
	s13 =	simm.s32 $0x11C00;
	[dreg:$0xa] =	wrdreg s8  }
0x20: {  	s15 =	simm.s32 $0x4;
	s19 =	simm.s32 $0x9;
	[dreg:$0x1b] =	wrdreg s20  }
0x21: {  	s22 =	sadd.s32 s0, s4;
	s0 =	sadd.s32 s0, s3;
	[dreg:$0x1c] =	wrdreg s21  }
0x22: {  	s25 =	sadd.s32 s3, s24;
	s8 =	simm.s32 $0x5C00;
	s12 =	simm.s32 $0x2  }
0x23: {  	s6 =	simm.s32 $0x3;
	s14 =	simm.s32 $0x6;
	[dreg:$0x5] =	wrdreg s22  }
0x24: {  	s17 =	simm.s32 $0x5;
	s20 =	simm.s32 $0xA;
	[dreg:$0x6] =	wrdreg s0  }
0x25: {  	s0 =	sshrl.u32 s16, $0x3;
	s22 =	sadd.s32 s3, s9;
	[dreg:$0x1f] =	wrdreg s25  }
0x26: {  	s21 =	simm.s32 $0x0;
	s18 =	sadd.s32 s0, s4;
	[dreg:$0x1d] =	wrdreg s22  }
0x27: {  	s9 =	simm.s32 $0x9C00;
	s0 =	sadd.s32 s0, s3;
	[dreg:$0xb] =	wrdreg s18  }
0x28: {  	s16 =	simm.s32 $0x7;
	[dreg:$0xc] =	wrdreg s0;
	s0 =	sadd.s32 s4, s24  }
0x29: {  	s18 =	simm.s32 $0x8;
	[smem:$0x7FC] =	sst s0;
	s0 =	simm.s32 $0x80  }
.LBB2_1:
0x2a: {  	s1 =	simm.s32 $0x400;
	s22 =	simm.s32 $0x8000  }
0x2b: {  	[tilespmem:s5], [sflag:$0xB] =	stream.strided.gather [hbm4b:s28+s1], $0x1800, s22, s1, $0x38;
	[tilespmem:$0x15C00] =	vst v63  }
0x2c: {  	_ = 	snop  }
0x2d: {  	[tilespmem:s23], [sflag:$0xB] =	stream.linear.gather [hbm4b:s30+s5], $0x100, $0x38;
	[tilespmem:$0x15C00] =	vst v63  }
0x2e: {  	_ =	swait.ge [sflag:s31], $0x1900  }
0x2f: {  	[sflag:s31] =	ssyncset.done $0x0  }
0x30: {  	[sflag:s31] =	ssyncadd.s32 $0xFFFFE700  }
0x31: {  	[tilespmem:s7], [sflag:$0x1] =	stream.indirect.gather [hbm4b:s2+s0], $0x80, s5, s0, $0xb8;
	[tilespmem:$0x15C00] =	vst v63  }
0x32: {  	_ = 	snop  }
0x33: {  	[tilespmem:s8], [sflag:$0x2] =	stream.indirect.gather [hbm4b:s2+s0], $0x80, s0, s0, $0xb8;
	[tilespmem:$0x15C00] =	vst v63  }
0x34: {  	s26 =	simm.s32 $0x100  }
0x35: {  	[tilespmem:s9], [sflag:$0x3] =	stream.indirect.gather [hbm4b:s2+s0], $0x80, s26, s0, $0xb8;
	[tilespmem:$0x15C00] =	vst v63  }
0x36: {  	_ =	swait.ge [sflag:s10], $0x4000  }
0x37: {  	[sflag:s10] =	ssyncset.done $0x0  }
0x38: {  	s22 =	rddreg [dreg:$0x1d];
	[sflag:s10] =	ssyncadd.s32 $0xFFFFC000  }
0x39: {  	[hbm4b:s22+s5] =	stream.linear.scatter [tilespmem:s7], [sflag:$0x6], $0x4000, $0x38;
	[tilespmem:$0x15C00] =	vst v63  }
0x3a: {  	s23 =	rddreg [dreg:$0x1e]  }
0x3b: {  	[hbm4b:s23+s5] =	stream.linear.scatter [tilespmem:s7], [sflag:$0x6], $0x4000, $0x38;
	[tilespmem:$0x15C00] =	vst v63  }
0x3c: {  	s24 =	simm.s32 $0x180  }
0x3d: {  	[tilespmem:s11], [sflag:$0x4] =	stream.indirect.gather [hbm4b:s2+s0], $0x80, s24, s0, $0xb8;
	[tilespmem:$0x15C00] =	vst v63  }
0x3e: {  	_ =	swait.ge [sflag:s12], $0x4000  }
0x3f: {  	[sflag:s12] =	ssyncset.done $0x0  }
0x40: {  	s25 =	rddreg [dreg:$0xd];
	[sflag:s12] =	ssyncadd.s32 $0xFFFFC000  }
0x41: {  	[hbm4b:s25+s5] =	stream.linear.scatter [tilespmem:s8], [sflag:$0x7], $0x4000, $0x38;
	[tilespmem:$0x15C00] =	vst v63  }
0x42: {  	s26 =	rddreg [dreg:$0xe]  }
0x43: {  	[hbm4b:s26+s5] =	stream.linear.scatter [tilespmem:s8], [sflag:$0x7], $0x4000, $0x38;
	[tilespmem:$0x15C00] =	vst v63  }
0x44: {  	s22 =	simm.s32 $0x200  }
0x45: {  	[tilespmem:s13], [sflag:$0x5] =	stream.indirect.gather [hbm4b:s2+s0], $0x80, s22, s0, $0xb8;
	[tilespmem:$0x15C00] =	vst v63  }
0x46: {  	_ =	swait.ge [sflag:s6], $0x4000  }
0x47: {  	[sflag:s6] =	ssyncset.done $0x0  }
0x48: {  	s23 =	rddreg [dreg:$0xf];
	[sflag:s6] =	ssyncadd.s32 $0xFFFFC000  }
0x49: {  	[hbm4b:s23+s5] =	stream.linear.scatter [tilespmem:s9], [sflag:$0x8], $0x4000, $0x38;
	[tilespmem:$0x15C00] =	vst v63  }
0x4a: {  	s24 =	rddreg [dreg:$0x10]  }
0x4b: {  	[hbm4b:s24+s5] =	stream.linear.scatter [tilespmem:s9], [sflag:$0x8], $0x4000, $0x38;
	[tilespmem:$0x15C00] =	vst v63  }
0x4c: {  	_ =	swait.ge [sflag:s14], $0x4000  }
0x4d: {  	[sflag:s14] =	ssyncset.done $0x0  }
0x4e: {  	[sflag:s14] =	ssyncadd.s32 $0xFFFFC000  }
0x4f: {  	_ =	swait.ge [sflag:s14], $0x4000  }
0x50: {  	[sflag:s14] =	ssyncset.done $0x0  }
0x51: {  	s25 =	simm.s32 $0x280;
	[sflag:s14] =	ssyncadd.s32 $0xFFFFC000  }
0x52: {  	[tilespmem:s7], [sflag:$0x1] =	stream.indirect.gather [hbm4b:s2+s0], $0x80, s25, s0, $0xb8;
	[tilespmem:$0x15C00] =	vst v63  }
0x53: {  	_ =	swait.ge [sflag:s15], $0x4000  }
0x54: {  	[sflag:s15] =	ssyncset.done $0x0  }
0x55: {  	s26 =	rddreg [dreg:$0x11];
	[sflag:s15] =	ssyncadd.s32 $0xFFFFC000  }
0x56: {  	[hbm4b:s26+s5] =	stream.linear.scatter [tilespmem:s11], [sflag:$0x9], $0x4000, $0x38;
	[tilespmem:$0x15C00] =	vst v63  }
0x57: {  	s22 =	rddreg [dreg:$0x12]  }
0x58: {  	[hbm4b:s22+s5] =	stream.linear.scatter [tilespmem:s11], [sflag:$0x9], $0x4000, $0x38;
	[tilespmem:$0x15C00] =	vst v63  }
0x59: {  	_ =	swait.ge [sflag:s16], $0x4000  }
0x5a: {  	[sflag:s16] =	ssyncset.done $0x0  }
0x5b: {  	[sflag:s16] =	ssyncadd.s32 $0xFFFFC000  }
0x5c: {  	_ =	swait.ge [sflag:s16], $0x4000  }
0x5d: {  	[sflag:s16] =	ssyncset.done $0x0  }
0x5e: {  	s23 =	simm.s32 $0x300;
	[sflag:s16] =	ssyncadd.s32 $0xFFFFC000  }
0x5f: {  	[tilespmem:s8], [sflag:$0x2] =	stream.indirect.gather [hbm4b:s2+s0], $0x80, s23, s0, $0xb8;
	[tilespmem:$0x15C00] =	vst v63  }
0x60: {  	_ =	swait.ge [sflag:s17], $0x4000  }
0x61: {  	[sflag:s17] =	ssyncset.done $0x0  }
0x62: {  	s24 =	rddreg [dreg:$0x13];
	[sflag:s17] =	ssyncadd.s32 $0xFFFFC000  }
0x63: {  	[hbm4b:s24+s5] =	stream.linear.scatter [tilespmem:s13], [sflag:$0xA], $0x4000, $0x38;
	[tilespmem:$0x15C00] =	vst v63  }
0x64: {  	s25 =	rddreg [dreg:$0x14]  }
0x65: {  	[hbm4b:s25+s5] =	stream.linear.scatter [tilespmem:s13], [sflag:$0xA], $0x4000, $0x38;
	[tilespmem:$0x15C00] =	vst v63  }
0x66: {  	_ =	swait.ge [sflag:s18], $0x4000  }
0x67: {  	[sflag:s18] =	ssyncset.done $0x0  }
0x68: {  	[sflag:s18] =	ssyncadd.s32 $0xFFFFC000  }
0x69: {  	_ =	swait.ge [sflag:s18], $0x4000  }
0x6a: {  	[sflag:s18] =	ssyncset.done $0x0  }
0x6b: {  	s26 =	simm.s32 $0x380;
	[sflag:s18] =	ssyncadd.s32 $0xFFFFC000  }
0x6c: {  	[tilespmem:s9], [sflag:$0x3] =	stream.indirect.gather [hbm4b:s2+s0], $0x80, s26, s0, $0xb8;
	[tilespmem:$0x15C00] =	vst v63  }
0x6d: {  	_ =	swait.ge [sflag:s10], $0x4000  }
0x6e: {  	s1 =	sshrl.u32 s29, $0x3;
	[sflag:s10] =	ssyncset.done $0x0  }
0x6f: {  	s24 =	sadd.s32 s3, s1;
	[sflag:s10] =	ssyncadd.s32 $0xFFFFC000  }
0x70: {  	[hbm4b:s24+s5] =	stream.linear.scatter [tilespmem:s7], [sflag:$0x6], $0x4000, $0x38;
	[tilespmem:$0x15C00] =	vst v63  }
0x71: {  	s22 =	sadd.s32 s4, s1  }
0x72: {  	[hbm4b:s22+s5] =	stream.linear.scatter [tilespmem:s7], [sflag:$0x6], $0x4000, $0x38;
	[tilespmem:$0x15C00] =	vst v63  }
0x73: {  	_ =	swait.ge [sflag:s19], $0x4000  }
0x74: {  	[sflag:s19] =	ssyncset.done $0x0  }
0x75: {  	[sflag:s19] =	ssyncadd.s32 $0xFFFFC000  }
0x76: {  	_ =	swait.ge [sflag:s19], $0x4000  }
0x77: {  	[sflag:s19] =	ssyncset.done $0x0  }
0x78: {  	s25 =	simm.s32 $0x400;
	[sflag:s19] =	ssyncadd.s32 $0xFFFFC000  }
0x79: {  	[tilespmem:s11], [sflag:$0x4] =	stream.indirect.gather [hbm4b:s2+s0], $0x80, s25, s0, $0xb8;
	[tilespmem:$0x15C00] =	vst v63  }
0x7a: {  	_ =	swait.ge [sflag:s12], $0x4000  }
0x7b: {  	s26 =	rddreg [dreg:$0x6];
	[sflag:s12] =	ssyncset.done $0x0  }
0x7c: {  	s1 =	rddreg [dreg:$0x5];
	[sflag:s12] =	ssyncadd.s32 $0xFFFFC000;
	s22 =	sadd.s32 $0x0, s26  }
0x7d: {  	[hbm4b:s22+s5] =	stream.linear.scatter [tilespmem:s8], [sflag:$0x7], $0x4000, $0x38;
	[tilespmem:$0x15C00] =	vst v63  }
0x7e: {  	s24 =	sadd.s32 $0x0, s1  }
0x7f: {  	[hbm4b:s24+s5] =	stream.linear.scatter [tilespmem:s8], [sflag:$0x7], $0x4000, $0x38;
	[tilespmem:$0x15C00] =	vst v63  }
0x80: {  	_ =	swait.ge [sflag:s20], $0x4000  }
0x81: {  	[sflag:s20] =	ssyncset.done $0x0  }
0x82: {  	[sflag:s20] =	ssyncadd.s32 $0xFFFFC000  }
0x83: {  	_ =	swait.ge [sflag:s20], $0x4000  }
0x84: {  	[sflag:s20] =	ssyncset.done $0x0  }
0x85: {  	s25 =	simm.s32 $0x480;
	[sflag:s20] =	ssyncadd.s32 $0xFFFFC000  }
0x86: {  	[tilespmem:s13], [sflag:$0x5] =	stream.indirect.gather [hbm4b:s2+s0], $0x80, s25, s0, $0xb8;
	[tilespmem:$0x15C00] =	vst v63  }
0x87: {  	_ =	swait.ge [sflag:s6], $0x4000  }
0x88: {  	s26 =	rddreg [dreg:$0xc];
	[sflag:s6] =	ssyncset.done $0x0  }
0x89: {  	s1 =	rddreg [dreg:$0xb];
	[sflag:s6] =	ssyncadd.s32 $0xFFFFC000;
	s22 =	sadd.s32 $0x0, s26  }
0x8a: {  	[hbm4b:s22+s5] =	stream.linear.scatter [tilespmem:s9], [sflag:$0x8], $0x4000, $0x38;
	[tilespmem:$0x15C00] =	vst v63  }
0x8b: {  	s24 =	sadd.s32 $0x0, s1  }
0x8c: {  	[hbm4b:s24+s5] =	stream.linear.scatter [tilespmem:s9], [sflag:$0x8], $0x4000, $0x38;
	[tilespmem:$0x15C00] =	vst v63  }
0x8d: {  	_ =	swait.ge [sflag:s14], $0x4000  }
0x8e: {  	[sflag:s14] =	ssyncset.done $0x0  }
0x8f: {  	[sflag:s14] =	ssyncadd.s32 $0xFFFFC000  }
0x90: {  	_ =	swait.ge [sflag:s14], $0x4000  }
0x91: {  	[sflag:s14] =	ssyncset.done $0x0  }
0x92: {  	s25 =	simm.s32 $0x500;
	[sflag:s14] =	ssyncadd.s32 $0xFFFFC000  }
0x93: {  	[tilespmem:s7], [sflag:$0x1] =	stream.indirect.gather [hbm4b:s2+s0], $0x80, s25, s0, $0xb8;
	[tilespmem:$0x15C00] =	vst v63  }
0x94: {  	_ =	swait.ge [sflag:s15], $0x4000  }
0x95: {  	s26 =	rddreg [dreg:$0xa];
	[sflag:s15] =	ssyncset.done $0x0  }
0x96: {  	s1 =	rddreg [dreg:$0x9];
	[sflag:s15] =	ssyncadd.s32 $0xFFFFC000;
	s22 =	sadd.s32 $0x0, s26  }
0x97: {  	[hbm4b:s22+s5] =	stream.linear.scatter [tilespmem:s11], [sflag:$0x9], $0x4000, $0x38;
	[tilespmem:$0x15C00] =	vst v63  }
0x98: {  	s23 =	sadd.s32 $0x0, s1  }
0x99: {  	[hbm4b:s23+s5] =	stream.linear.scatter [tilespmem:s11], [sflag:$0x9], $0x4000, $0x38;
	[tilespmem:$0x15C00] =	vst v63  }
0x9a: {  	_ =	swait.ge [sflag:s16], $0x4000  }
0x9b: {  	[sflag:s16] =	ssyncset.done $0x0  }
0x9c: {  	[sflag:s16] =	ssyncadd.s32 $0xFFFFC000  }
0x9d: {  	_ =	swait.ge [sflag:s16], $0x4000  }
0x9e: {  	[sflag:s16] =	ssyncset.done $0x0  }
0x9f: {  	s24 =	simm.s32 $0x580;
	[sflag:s16] =	ssyncadd.s32 $0xFFFFC000  }
0xa0: {  	[tilespmem:s8], [sflag:$0x2] =	stream.indirect.gather [hbm4b:s2+s0], $0x80, s24, s0, $0xb8;
	[tilespmem:$0x15C00] =	vst v63  }
0xa1: {  	_ =	swait.ge [sflag:s17], $0x4000  }
0xa2: {  	s23 =	simm.s32 $0x800;
	s25 =	rddreg [dreg:$0x8];
	[sflag:s17] =	ssyncset.done $0x0  }
0xa3: {  	s26 =	rddreg [dreg:$0x7];
	[sflag:s17] =	ssyncadd.s32 $0xFFFFC000;
	s22 =	sadd.s32 $0x0, s25  }
0xa4: {  	[hbm4b:s22+s5] =	stream.linear.scatter [tilespmem:s13], [sflag:$0xA], $0x4000, $0x38;
	[tilespmem:$0x15C00] =	vst v63  }
0xa5: {  	s24 =	sadd.s32 $0x280000, s29;
	s25 =	sadd.s32 $0x0, s26;
	s22 =	simm.s32 $0x50000  }
.LBB2_2:
0xa6: {  	[hbm4b:s25+s5] =	stream.linear.scatter [tilespmem:s13], [sflag:$0xA], $0x4000, $0x38;
	[tilespmem:$0x15C00] =	vst v63  }
0xa7: {  	_ =	swait.ge [sflag:s18], $0x4000  }
0xa8: {  	[sflag:s18] =	ssyncset.done $0x0  }
0xa9: {  	[sflag:s18] =	ssyncadd.s32 $0xFFFFC000  }
0xaa: {  	_ =	swait.ge [sflag:s18], $0x4000  }
0xab: {  	[sflag:s18] =	ssyncset.done $0x0  }
0xac: {  	s1 =	sadd.s32 $0xFFFFFE00, s23;
	[sflag:s18] =	ssyncadd.s32 $0xFFFFC000  }
0xad: {  	[tilespmem:s9], [sflag:$0x3] =	stream.indirect.gather [hbm4b:s2+s0], $0x80, s1, s0, $0xb8;
	[tilespmem:$0x15C00] =	vst v63  }
0xae: {  	_ =	swait.ge [sflag:s10], $0x4000  }
0xaf: {  	s1 =	sshrl.u32 s24, $0x3;
	[sflag:s10] =	ssyncset.done $0x0  }
0xb0: {  	s26 =	sadd.s32 s3, s1;
	[sflag:s10] =	ssyncadd.s32 $0xFFFFC000  }
0xb1: {  	[hbm4b:s26+s5] =	stream.linear.scatter [tilespmem:s7], [sflag:$0x6], $0x4000, $0x38;
	[tilespmem:$0x15C00] =	vst v63  }
0xb2: {  	s1 =	sadd.s32 s4, s1  }
0xb3: {  	[hbm4b:s1+s5] =	stream.linear.scatter [tilespmem:s7], [sflag:$0x6], $0x4000, $0x38;
	[tilespmem:$0x15C00] =	vst v63  }
0xb4: {  	_ =	swait.ge [sflag:s19], $0x4000  }
0xb5: {  	[sflag:s19] =	ssyncset.done $0x0  }
0xb6: {  	[sflag:s19] =	ssyncadd.s32 $0xFFFFC000  }
0xb7: {  	_ =	swait.ge [sflag:s19], $0x4000  }
0xb8: {  	[sflag:s19] =	ssyncset.done $0x0  }
0xb9: {  	s26 =	sadd.s32 $0xFFFFFE80, s23;
	[sflag:s19] =	ssyncadd.s32 $0xFFFFC000  }
0xba: {  	[tilespmem:s11], [sflag:$0x4] =	stream.indirect.gather [hbm4b:s2+s0], $0x80, s26, s0, $0xb8;
	[tilespmem:$0x15C00] =	vst v63  }
0xbb: {  	_ =	swait.ge [sflag:s12], $0x4000  }
0xbc: {  	s25 =	smov.u32 s22;
	s1 =	rddreg [dreg:$0x6];
	[sflag:s12] =	ssyncset.done $0x0  }
0xbd: {  	s26 =	rddreg [dreg:$0x5];
	[sflag:s12] =	ssyncadd.s32 $0xFFFFC000;
	s1 =	sadd.s32 s25, s1  }
0xbe: {  	[hbm4b:s1+s5] =	stream.linear.scatter [tilespmem:s8], [sflag:$0x7], $0x4000, $0x38;
	[tilespmem:$0x15C00] =	vst v63  }
0xbf: {  	s26 =	sadd.s32 s25, s26  }
0xc0: {  	[hbm4b:s26+s5] =	stream.linear.scatter [tilespmem:s8], [sflag:$0x7], $0x4000, $0x38;
	[tilespmem:$0x15C00] =	vst v63  }
0xc1: {  	_ =	swait.ge [sflag:s20], $0x4000  }
0xc2: {  	[sflag:s20] =	ssyncset.done $0x0  }
0xc3: {  	[sflag:s20] =	ssyncadd.s32 $0xFFFFC000  }
0xc4: {  	_ =	swait.ge [sflag:s20], $0x4000  }
0xc5: {  	[sflag:s20] =	ssyncset.done $0x0  }
0xc6: {  	s26 =	sadd.s32 $0xFFFFFF00, s23;
	[sflag:s20] =	ssyncadd.s32 $0xFFFFC000  }
0xc7: {  	[tilespmem:s13], [sflag:$0x5] =	stream.indirect.gather [hbm4b:s2+s0], $0x80, s26, s0, $0xb8;
	[tilespmem:$0x15C00] =	vst v63  }
0xc8: {  	_ =	swait.ge [sflag:s6], $0x4000  }
0xc9: {  	s1 =	rddreg [dreg:$0xc];
	[sflag:s6] =	ssyncset.done $0x0  }
0xca: {  	s26 =	rddreg [dreg:$0xb];
	[sflag:s6] =	ssyncadd.s32 $0xFFFFC000;
	s1 =	sadd.s32 s25, s1  }
0xcb: {  	[hbm4b:s1+s5] =	stream.linear.scatter [tilespmem:s9], [sflag:$0x8], $0x4000, $0x38;
	[tilespmem:$0x15C00] =	vst v63  }
0xcc: {  	s26 =	sadd.s32 s25, s26  }
0xcd: {  	[hbm4b:s26+s5] =	stream.linear.scatter [tilespmem:s9], [sflag:$0x8], $0x4000, $0x38;
	[tilespmem:$0x15C00] =	vst v63  }
0xce: {  	_ =	swait.ge [sflag:s14], $0x4000  }
0xcf: {  	[sflag:s14] =	ssyncset.done $0x0  }
0xd0: {  	[sflag:s14] =	ssyncadd.s32 $0xFFFFC000  }
0xd1: {  	_ =	swait.ge [sflag:s14], $0x4000  }
0xd2: {  	[sflag:s14] =	ssyncset.done $0x0  }
0xd3: {  	s26 =	sadd.s32 $0xFFFFFF80, s23;
	[sflag:s14] =	ssyncadd.s32 $0xFFFFC000  }
0xd4: {  	[tilespmem:s7], [sflag:$0x1] =	stream.indirect.gather [hbm4b:s2+s0], $0x80, s26, s0, $0xb8;
	[tilespmem:$0x15C00] =	vst v63  }
0xd5: {  	_ =	swait.ge [sflag:s15], $0x4000  }
0xd6: {  	s1 =	rddreg [dreg:$0xa];
	[sflag:s15] =	ssyncset.done $0x0  }
0xd7: {  	s26 =	rddreg [dreg:$0x9];
	[sflag:s15] =	ssyncadd.s32 $0xFFFFC000;
	s1 =	sadd.s32 s25, s1  }
0xd8: {  	[hbm4b:s1+s5] =	stream.linear.scatter [tilespmem:s11], [sflag:$0x9], $0x4000, $0x38;
	[tilespmem:$0x15C00] =	vst v63  }
0xd9: {  	s26 =	sadd.s32 s25, s26  }
0xda: {  	[hbm4b:s26+s5] =	stream.linear.scatter [tilespmem:s11], [sflag:$0x9], $0x4000, $0x38;
	[tilespmem:$0x15C00] =	vst v63  }
0xdb: {  	_ =	swait.ge [sflag:s16], $0x4000  }
0xdc: {  	[sflag:s16] =	ssyncset.done $0x0  }
0xdd: {  	[sflag:s16] =	ssyncadd.s32 $0xFFFFC000  }
0xde: {  	_ =	swait.ge [sflag:s16], $0x4000  }
0xdf: {  	[sflag:s16] =	ssyncset.done $0x0  }
0xe0: {  	p0 =	sne.s32 s22, $0x230000;
	[sflag:s16] =	ssyncadd.s32 $0xFFFFC000  }
0xe1: {  	[tilespmem:s8], [sflag:$0x2] =	stream.indirect.gather [hbm4b:s2+s0], $0x80, s23, s0, $0xb8;
	[tilespmem:$0x15C00] =	vst v63  }
.Ltmp0:
0xe2: {  	_ =	swait.ge [sflag:s17], $0x4000;
	(pc) =	sbr.rel @p0 .LBB2_2-.Ltmp0, $4  }
0xe3: {  	s22 =	sadd.s32 $0x50000, s22;
	s24 =	sadd.s32 $0x280000, s24;
	s1 =	rddreg [dreg:$0x8]  }
0xe4: {  	s23 =	sadd.s32 $0x280, s23;
	s26 =	rddreg [dreg:$0x7];
	[sflag:s17] =	ssyncset.done $0x0  }
0xe5: {  	[sflag:s17] =	ssyncadd.s32 $0xFFFFC000;
	s1 =	sadd.s32 s25, s1;
	s25 =	sadd.s32 s25, s26  }
0xe6: {  	[hbm4b:s1+s5] =	stream.linear.scatter [tilespmem:s13], [sflag:$0xA], $0x4000, $0x38;
	[tilespmem:$0x15C00] =	vst v63  }
0xe7: {  	[hbm4b:s25+s5] =	stream.linear.scatter [tilespmem:s13], [sflag:$0xA], $0x4000, $0x38;
	[tilespmem:$0x15C00] =	vst v63  }
0xe8: {  	_ =	swait.ge [sflag:s18], $0x4000  }
0xe9: {  	[sflag:s18] =	ssyncset.done $0x0  }
0xea: {  	[sflag:s18] =	ssyncadd.s32 $0xFFFFC000  }
0xeb: {  	_ =	swait.ge [sflag:s18], $0x4000  }
0xec: {  	[sflag:s18] =	ssyncset.done $0x0  }
0xed: {  	s1 =	simm.s32 $0x1780;
	[sflag:s18] =	ssyncadd.s32 $0xFFFFC000  }
0xee: {  	[tilespmem:s9], [sflag:$0x3] =	stream.indirect.gather [hbm4b:s2+s0], $0x80, s1, s0, $0xb8;
	[tilespmem:$0x15C00] =	vst v63  }
0xef: {  	_ =	swait.ge [sflag:s10], $0x4000  }
0xf0: {  	[sflag:s10] =	ssyncset.done $0x0  }
0xf1: {  	s23 =	rddreg [dreg:$0x15];
	[sflag:s10] =	ssyncadd.s32 $0xFFFFC000  }
0xf2: {  	[hbm4b:s23+s5] =	stream.linear.scatter [tilespmem:s7], [sflag:$0x6], $0x4000, $0x38;
	[tilespmem:$0x15C00] =	vst v63  }
0xf3: {  	s24 =	rddreg [dreg:$0x16]  }
0xf4: {  	[hbm4b:s24+s5] =	stream.linear.scatter [tilespmem:s7], [sflag:$0x6], $0x4000, $0x38;
	[tilespmem:$0x15C00] =	vst v63  }
0xf5: {  	_ =	swait.ge [sflag:s19], $0x4000  }
0xf6: {  	[sflag:s19] =	ssyncset.done $0x0  }
0xf7: {  	[sflag:s19] =	ssyncadd.s32 $0xFFFFC000  }
0xf8: {  	_ =	swait.ge [sflag:s19], $0x4000  }
0xf9: {  	[sflag:s19] =	ssyncset.done $0x0  }
0xfa: {  	s23 =	simm.s32 $0x1800;
	[sflag:s19] =	ssyncadd.s32 $0xFFFFC000  }
0xfb: {  	[tilespmem:s11], [sflag:$0x4] =	stream.indirect.gather [hbm4b:s2+s0], $0x80, s23, s0, $0xb8;
	[tilespmem:$0x15C00] =	vst v63  }
0xfc: {  	_ =	swait.ge [sflag:s12], $0x4000  }
0xfd: {  	[sflag:s12] =	ssyncset.done $0x0  }
0xfe: {  	s25 =	rddreg [dreg:$0x17];
	[sflag:s12] =	ssyncadd.s32 $0xFFFFC000  }
0xff: {  	[hbm4b:s25+s5] =	stream.linear.scatter [tilespmem:s8], [sflag:$0x7], $0x4000, $0x38;
	[tilespmem:$0x15C00] =	vst v63  }
0x100: {  	s26 =	rddreg [dreg:$0x18]  }
0x101: {  	[hbm4b:s26+s5] =	stream.linear.scatter [tilespmem:s8], [sflag:$0x7], $0x4000, $0x38;
	[tilespmem:$0x15C00] =	vst v63  }
0x102: {  	_ =	swait.ge [sflag:s20], $0x4000  }
0x103: {  	[sflag:s20] =	ssyncset.done $0x0  }
0x104: {  	[sflag:s20] =	ssyncadd.s32 $0xFFFFC000  }
0x105: {  	_ =	swait.ge [sflag:s20], $0x4000  }
0x106: {  	[sflag:s20] =	ssyncset.done $0x0  }
0x107: {  	s22 =	simm.s32 $0x1880;
	[sflag:s20] =	ssyncadd.s32 $0xFFFFC000  }
0x108: {  	[tilespmem:s13], [sflag:$0x5] =	stream.indirect.gather [hbm4b:s2+s0], $0x80, s22, s0, $0xb8;
	[tilespmem:$0x15C00] =	vst v63  }
0x109: {  	_ =	swait.ge [sflag:s6], $0x4000  }
0x10a: {  	[sflag:s6] =	ssyncset.done $0x0  }
0x10b: {  	s24 =	rddreg [dreg:$0x19];
	[sflag:s6] =	ssyncadd.s32 $0xFFFFC000  }
0x10c: {  	[hbm4b:s24+s5] =	stream.linear.scatter [tilespmem:s9], [sflag:$0x8], $0x4000, $0x38;
	[tilespmem:$0x15C00] =	vst v63  }
0x10d: {  	s25 =	rddreg [dreg:$0x1a]  }
0x10e: {  	[hbm4b:s25+s5] =	stream.linear.scatter [tilespmem:s9], [sflag:$0x8], $0x4000, $0x38;
	[tilespmem:$0x15C00] =	vst v63  }
0x10f: {  	_ =	swait.ge [sflag:s15], $0x4000  }
0x110: {  	[sflag:s15] =	ssyncset.done $0x0  }
0x111: {  	s26 =	rddreg [dreg:$0x1b];
	[sflag:s15] =	ssyncadd.s32 $0xFFFFC000  }
0x112: {  	[hbm4b:s26+s5] =	stream.linear.scatter [tilespmem:s11], [sflag:$0x9], $0x4000, $0x38;
	[tilespmem:$0x15C00] =	vst v63  }
0x113: {  	s22 =	rddreg [dreg:$0x1c]  }
0x114: {  	[hbm4b:s22+s5] =	stream.linear.scatter [tilespmem:s11], [sflag:$0x9], $0x4000, $0x38;
	[tilespmem:$0x15C00] =	vst v63  }
0x115: {  	_ =	swait.ge [sflag:s17], $0x4000  }
0x116: {  	[sflag:s17] =	ssyncset.done $0x0;
	s24 =	rddreg [dreg:$0x1f]  }
0x117: {  	s25 =	sld [smem:$0x7FC];
	[sflag:s17] =	ssyncadd.s32 $0xFFFFC000  }
0x118: {  	[hbm4b:s24+s5] =	stream.linear.scatter [tilespmem:s13], [sflag:$0xA], $0x4000, $0x38;
	[tilespmem:$0x15C00] =	vst v63  }
0x119: {  	_ = 	snop  }
0x11a: {  	[hbm4b:s25+s5] =	stream.linear.scatter [tilespmem:s13], [sflag:$0xA], $0x4000, $0x38;
	[tilespmem:$0x15C00] =	vst v63  }
0x11b: {  	_ =	swait.ge [sflag:s14], $0x4000  }
0x11c: {  	[sflag:s14] =	ssyncset.done $0x0  }
0x11d: {  	[sflag:s14] =	ssyncadd.s32 $0xFFFFC000  }
0x11e: {  	_ =	swait.ge [sflag:s14], $0x4000  }
0x11f: {  	[sflag:s14] =	ssyncset.done $0x0  }
0x120: {  	[sflag:s14] =	ssyncadd.s32 $0xFFFFC000  }
0x121: {  	_ =	swait.ge [sflag:s16], $0x4000  }
0x122: {  	[sflag:s16] =	ssyncset.done $0x0  }
0x123: {  	[sflag:s16] =	ssyncadd.s32 $0xFFFFC000  }
0x124: {  	_ =	swait.ge [sflag:s16], $0x4000  }
0x125: {  	[sflag:s16] =	ssyncset.done $0x0  }
0x126: {  	[sflag:s16] =	ssyncadd.s32 $0xFFFFC000  }
0x127: {  	_ =	swait.ge [sflag:s18], $0x4000  }
0x128: {  	[sflag:s18] =	ssyncset.done $0x0  }
0x129: {  	[sflag:s18] =	ssyncadd.s32 $0xFFFFC000  }
0x12a: {  	_ =	swait.ge [sflag:s18], $0x4000  }
0x12b: {  	[sflag:s18] =	ssyncset.done $0x0  }
0x12c: {  	[sflag:s18] =	ssyncadd.s32 $0xFFFFC000  }
0x12d: {  	_ =	swait.ge [sflag:s19], $0x4000  }
0x12e: {  	[sflag:s19] =	ssyncset.done $0x0  }
0x12f: {  	[sflag:s19] =	ssyncadd.s32 $0xFFFFC000  }
0x130: {  	_ =	swait.ge [sflag:s19], $0x4000  }
0x131: {  	[sflag:s19] =	ssyncset.done $0x0  }
0x132: {  	[sflag:s19] =	ssyncadd.s32 $0xFFFFC000  }
0x133: {  	_ =	swait.ge [sflag:s20], $0x4000  }
0x134: {  	[sflag:s20] =	ssyncset.done $0x0  }
0x135: {  	[sflag:s20] =	ssyncadd.s32 $0xFFFFC000  }
0x136: {  	_ =	swait.ge [sflag:s20], $0x4000  }
0x137: {  	s26 =	sld [smem:$0x7FD];
	_ =	sdelay $0x1  }
0x138: {  	s21 =	sadd.s32 $0x1, s21  }
0x139: {  	p0 =	sne.s32 s21, s26  }
.Ltmp1:
0x13a: {  	_ = 	snop;
	(pc) =	sbr.rel @p0 .LBB2_1-.Ltmp1, $3  }
0x13b: {  	_ =	sdelay $0x1  }
0x13c: {  	[sflag:s20] =	ssyncset.done $0x0  }
0x13d: {  	[sflag:s20] =	ssyncadd.s32 $0xFFFFC000  }
0x13e: {  	_ =	sfence.sel $0x180000  }
0x13f: {  	[bflag:$0x0] =	sbarrier.arrive $0xFFFF  }
0x140: {  	_ =	strace $0x90000047  }
0x141: {  	s0 =	stileid.u32;
	[bflag:$0x2] =	sbarrier.arrive $0xFFFF  }
0x142: {  	p0 =	sne.s32 s0, $0x0;
	s0 =	rddreg [dreg:$0x4]  }
0x143: {  	s0 =	sadd.s32 @!p0 $0x100000, s0  }
0x144: {  	[sflag:s0] =	ssyncadd.tile.s32 @!p0 $0x1;
	_ =	shalt  }
.Lfunc_end2:
_tile_overlayer_lowered:
.L_overlay_start_2:
0x145: {  	(tag) =	ssettag $0x2  }
0x146: {  	s0 =	rddreg [dreg:$0x0];
	s2 =	stileid.u32  }
0x147: {  	s1 =	rddreg [dreg:$0x1];
	p0 =	sne.s32 s2, $0x0  }
0x148: {  	s3 =	rddreg [dreg:$0x2];
	[bflag:$0x3] =	sbarrier.arrive $0xFFFF;
	s2 =	simm.s32 @!p0 $0x1C0B  }
0x149: {  	[timem:s3], [sflag:s2] =	dma.local @!p0 [hbm:s0], s1  }
0x14a: {  	s0 =	simm.s32 @!p0 $0xB  }
0x14b: {  	_ =	swait.ge @!p0 [sflag:s0], s1  }
0x14c: {  	s1 =	ssub.s32 @!p0 $0x0, s1;
	[sflag:s0] =	ssyncset.done @!p0 $0x0  }
0x14d: {  	[sflag:s0] =	ssyncadd.s32 @!p0 s1  }
0x14e: {  	[bflag:$0x3] =	sbarrier.arrive $0xFFFF  }
0x14f: {  	_ =	shalt  }

</sc_bundles>
